<compile_context>
chip_gen: v7x
topology: tpu7x:2x2x1
jax: 0.10.2.dev20260603
libtpu: 0.0.44.dev20260713+nightly
codegen_flags: <defaults>
</compile_context>

<pallas_src>
import functools

import jax
import jax.numpy as jnp
import numpy as np
from jax import lax
from jax.experimental import pallas as pl
from jax.experimental.pallas import tpu as pltpu
from jax.experimental.pallas import tpu_sc as plsc

_EPS = float(np.finfo(np.float32).eps)
_T, _C = 2048, 768
_H, _N = 12, 64
_D = _H * _N
_E, _K, _FF = 64, 2, 512
_NA = _T * _K
_BLK = 128
_NROWS = 4736
_BT = 256
_NTB = _T // _BT
_NSC = 32
_NPW = _NA // _NSC

_PREC = lax.Precision.DEFAULT


def _mm(a, b):
    return lax.dot_general(a, b, (((1,), (0,)), ((), ())),
                           precision=_PREC, preferred_element_type=jnp.float32)


def _mm_t(a, w):
    return lax.dot_general(a, w, (((1,), (1,)), ((), ())),
                           precision=_PREC, preferred_element_type=jnp.float32)


def _rmsn(x):
    return x * lax.rsqrt(jnp.mean(x * x, axis=-1, keepdims=True) + _EPS)


def _const_blockdiag_mean():
    bm = np.zeros((_D, _D), np.float32)
    for h in range(_H):
        bm[h * _N:(h + 1) * _N, h * _N:(h + 1) * _N] = 1.0 / _N
    return bm


def _const_rot():
    rm = np.zeros((_D, _D), np.float32)
    half = _N // 2
    for h in range(_H):
        b = h * _N
        for i in range(half):
            rm[b + half + i, b + i] = -1.0
            rm[b + i, b + half + i] = 1.0
    return rm


def _const_triu(n):
    return np.triu(np.ones((n, n), np.float32), 1)


def _const_tril(n):
    return np.tril(np.ones((n, n), np.float32), -1)


def _proj_kernel(x_ref, wq_ref, wk_ref, wv_ref, wg_ref, bm_ref, rm_ref,
                 cos_ref, sin_ref, q_ref, k_ref, v_ref, g_ref):
    bf16 = jnp.bfloat16
    xb = x_ref[...]
    xn = _rmsn(xb).astype(bf16)
    q = _mm_t(xn, wq_ref[...].astype(bf16))
    k = _mm_t(xn, wk_ref[...].astype(bf16))
    v_ref[...] = _mm_t(xn, wv_ref[...].astype(bf16)).astype(bf16)
    g_ref[...] = _mm_t(xn, wg_ref[...].astype(bf16)).astype(bf16)
    bm = bm_ref[...].astype(bf16)
    q = q * lax.rsqrt(_mm((q * q).astype(bf16), bm) + _EPS)
    k = k * lax.rsqrt(_mm((k * k).astype(bf16), bm) + _EPS)
    rm = rm_ref[...].astype(bf16)
    cosb = jnp.concatenate([cos_ref[...]] * _H, axis=1)
    sinb = jnp.concatenate([sin_ref[...]] * _H, axis=1)
    q_ref[...] = (q * cosb + _mm(q.astype(bf16), rm) * sinb).astype(bf16)
    k_ref[...] = (k * cosb + _mm(k.astype(bf16), rm) * sinb).astype(bf16)


def _attn_kernel(q_ref, k_ref, v_ref, o_ref, l_s, a_s):
    t = pl.program_id(1)
    scale = jnp.float32(1.0 / np.sqrt(_N))
    rows = lax.broadcasted_iota(jnp.int32, (_BT, _BT), 0)
    cols = lax.broadcasted_iota(jnp.int32, (_BT, _BT), 1)
    bf16 = jnp.bfloat16
    l_s[...] = jnp.zeros((_BT, 128), jnp.float32)
    a_s[...] = jnp.zeros((_BT, 2 * _N), jnp.float32)
    qhs = [q_ref[:, s * _N:(s + 1) * _N] * bf16(scale)
           for s in range(2)]

    def step(j, masked):
        pvs, lsum = [], []
        for s_ in range(2):
            lo, hi = s_ * _N, (s_ + 1) * _N
            kb = k_ref[pl.ds(j * _BT, _BT), lo:hi]
            s = lax.dot_general(qhs[s_], kb, (((1,), (1,)), ((), ())),
                                preferred_element_type=jnp.float32)
            p = jnp.exp(s - jnp.float32(8.0))
            if masked:
                p = jnp.where(rows >= cols, p, jnp.float32(0.0))
            lsum.append(jnp.sum(p, axis=-1, keepdims=True))
            vb = v_ref[pl.ds(j * _BT, _BT), lo:hi]
            pvs.append(lax.dot_general(
                p.astype(bf16), vb, (((1,), (0,)), ((), ())),
                preferred_element_type=jnp.float32))
        l_s[:, 0:1] = l_s[:, 0:1] + lsum[0]
        l_s[:, 64:65] = l_s[:, 64:65] + lsum[1]
        a_s[...] = a_s[...] + jnp.concatenate(pvs, axis=1)

    def body(j, _):
        step(j, masked=False)
        return 0

    lax.fori_loop(0, t, body, 0)
    step(t, masked=True)
    l0 = jnp.broadcast_to(l_s[:, 0:1], (_BT, _N))
    l1 = jnp.broadcast_to(l_s[:, 64:65], (_BT, _N))
    o_ref[...] = (a_s[...] / jnp.concatenate([l0, l1], axis=1)
                  ).astype(jnp.bfloat16)


def _router_kernel(x_ref, o_ref, g_ref, wo_ref, wgate_ref,
                   x2_ref, xf_ref, w_ref, i_ref):
    ob = (o_ref[...].astype(jnp.float32)
          * jax.nn.sigmoid(g_ref[...].astype(jnp.float32)))
    x2 = x_ref[...] + _mm_t(ob.astype(jnp.bfloat16),
                            wo_ref[...].astype(jnp.bfloat16))
    x2_ref[...] = x2
    xf = _rmsn(x2)
    xf_ref[...] = xf
    logits = _mm_t(xf, wgate_ref[...])
    sm = jax.nn.softmax(logits, axis=-1)
    lane = lax.broadcasted_iota(jnp.int32, (_BT, _E), 1)
    m1 = jnp.max(sm, axis=-1, keepdims=True)
    i1 = jnp.min(jnp.where(sm == m1, lane, _E), axis=-1, keepdims=True)
    sm2 = jnp.where(lane == i1, jnp.float32(-1.0), sm)
    m2 = jnp.max(sm2, axis=-1, keepdims=True)
    i2 = jnp.min(jnp.where(sm2 == m2, lane, _E), axis=-1, keepdims=True)
    den = m1 + m2 + jnp.float32(1e-6)
    lane128 = lax.broadcasted_iota(jnp.int32, (_BT, 128), 1)
    w_ref[...] = jnp.where(lane128 == 0, m1 / den,
                           jnp.where(lane128 == 1, m2 / den, 0.0))
    i_ref[...] = jnp.where(lane128 == 0, i1, jnp.where(lane128 == 1, i2, 0))


def _sort_kernel(ea_ref, tri_ref, ltri_ref, pos_ref, meta_ref):
    tri = tri_ref[...]
    carry = jnp.zeros((_E, 1), jnp.float32)
    ranks = []
    for b in range(8):
        row = ea_ref[b:b + 1, :]
        oh = (jnp.broadcast_to(row, (_E, 512))
              == lax.broadcasted_iota(jnp.int32, (_E, 512), 0)
              ).astype(jnp.float32)
        cum = _mm(oh, tri) + carry
        ranks.append(jnp.sum(oh * cum, axis=0, keepdims=True))
        carry = carry + jnp.sum(oh, axis=1, keepdims=True)
    cnt = carry
    cnt8 = jnp.floor((cnt + 7.0) * 0.125) * 8.0
    off = _mm(ltri_ref[...], cnt8)
    nch = jnp.floor((cnt + jnp.float32(_BLK - 1)) * (1.0 / _BLK))
    lane = lax.broadcasted_iota(jnp.int32, (_E, 128), 1)
    meta_ref[...] = jnp.where(lane == 0, off, jnp.where(lane == 1, nch, 0.0)
                              ).astype(jnp.int32)
    for b in range(8):
        row = ea_ref[b:b + 1, :]
        oh = (jnp.broadcast_to(row, (_E, 512))
              == lax.broadcasted_iota(jnp.int32, (_E, 512), 0)
              ).astype(jnp.float32)
        offg = jnp.sum(oh * off, axis=0, keepdims=True)
        pos_ref[b:b + 1, :] = (ranks[b] + offg).astype(jnp.int32)


def _ffn_kernel(off_ref, nch_ref, xs_ref, w1_ref, w2_ref, ys_ref):
    e = pl.program_id(0)
    off = off_ref[e]
    nch = nch_ref[e]
    bf16 = jnp.bfloat16
    w1h = w1_ref[0].astype(bf16)
    w2h = w2_ref[0].astype(bf16)

    def body(i, _):
        st = pl.multiple_of(off + i * _BLK, 8)
        xb = xs_ref[pl.ds(st, _BLK), :].astype(bf16)
        h = lax.dot_general(xb, w1h, (((1,), (1,)), ((), ())),
                            preferred_element_type=jnp.float32)
        h = jnp.square(jnp.maximum(h, 0.0)).astype(bf16)
        ys_ref[pl.ds(st, _BLK), :] = lax.dot_general(
            h, w2h, (((1,), (1,)), ((), ())),
            preferred_element_type=jnp.float32)
        return 0

    lax.fori_loop(0, nch, body, 0)


def _shared_kernel(xf_ref, wsk_ref, wsv_ref, bsk_ref, bsv_ref, wsg_ref,
                   sh_ref):
    bf16 = jnp.bfloat16
    xf = xf_ref[...]
    xs = _rmsn(xf)
    hs = _mm_t(xs.astype(bf16), wsk_ref[...].astype(bf16)) + bsk_ref[0:1, :]
    hs = jnp.square(jnp.maximum(hs, 0.0))
    shared = _mm_t(hs.astype(bf16),
                   wsv_ref[...].astype(bf16)) + bsv_ref[0:1, :]
    sg = jax.nn.sigmoid(_mm_t(xf, wsg_ref[...]))
    sh_ref[...] = sg[:, 0:1] * shared


def _final_kernel(x2_ref, y0_ref, y1_ref, w_ref, sh_ref, out_ref):
    w = w_ref[...]
    out_ref[...] = (x2_ref[...]
                    + w[:, 0:1] * y0_ref[...]
                    + w[:, 1:2] * y1_ref[...]
                    + sh_ref[...])


def _sc_dispatch(xf, posj):
    mesh = plsc.VectorSubcoreMesh(core_axis_name="c", subcore_axis_name="s")

    @functools.partial(
        pl.kernel,
        out_type=jax.ShapeDtypeStruct((_NROWS, _C), jnp.float32),
        mesh=mesh,
        scratch_types=[pltpu.VMEM((_NPW,), jnp.int32),
                       pltpu.VMEM((_NPW, _C), jnp.float32),
                       pltpu.SemaphoreType.DMA],
    )
    def k(xf_hbm, pos_hbm, xs_hbm, pos_v, rows_v, sem):
        wid = lax.axis_index("s") * 2 + lax.axis_index("c")
        base = wid * _NPW
        tokbase = lax.rem(base, _T)
        pltpu.sync_copy(pos_hbm.at[pl.ds(base, _NPW)], pos_v)
        pltpu.sync_copy(xf_hbm.at[pl.ds(tokbase, _NPW)], rows_v)
        pltpu.async_copy(rows_v, xs_hbm.at[pos_v], sem).wait()

    return k(xf, posj)


def _sc_collect(ys, posj):
    mesh = plsc.VectorSubcoreMesh(core_axis_name="c", subcore_axis_name="s")

    @functools.partial(
        pl.kernel,
        out_type=[jax.ShapeDtypeStruct((_T, _C), jnp.float32),
                  jax.ShapeDtypeStruct((_T, _C), jnp.float32)],
        mesh=mesh,
        scratch_types=[pltpu.VMEM((_NPW,), jnp.int32),
                       pltpu.VMEM((_NPW, _C), jnp.float32),
                       pltpu.SemaphoreType.DMA],
    )
    def k(ys_hbm, pos_hbm, y0_hbm, y1_hbm, pos_v, rows_v, sem):
        wid = lax.axis_index("s") * 2 + lax.axis_index("c")
        base = wid * _NPW
        tokbase = lax.rem(base, _T)
        pltpu.sync_copy(pos_hbm.at[pl.ds(base, _NPW)], pos_v)
        pltpu.async_copy(ys_hbm.at[pos_v], rows_v, sem).wait()

        @pl.when(wid < _NSC // 2)
        def _():
            pltpu.sync_copy(rows_v, y0_hbm.at[pl.ds(tokbase, _NPW)])

        @pl.when(wid >= _NSC // 2)
        def _():
            pltpu.sync_copy(rows_v, y1_hbm.at[pl.ds(tokbase, _NPW)])

    return k(ys, posj)


def kernel(x, cos, sin, Wq, Wk, Wv, Wg, Wo, Wgate, W1, W2, Wsg, Wsk, bsk,
           Wsv, bsv):
    xm = x.reshape(_T, _C)
    f32 = jnp.float32

    bm = jnp.asarray(_const_blockdiag_mean())
    rm = jnp.asarray(_const_rot())
    tri = jnp.asarray(_const_triu(512))
    ltri = jnp.asarray(_const_tril(_E))

    q, k, v, g = pl.pallas_call(
        _proj_kernel,
        grid=(_NTB,),
        in_specs=[
            pl.BlockSpec((_BT, _C), lambda t: (t, 0)),
            pl.BlockSpec((_D, _C), lambda t: (0, 0)),
            pl.BlockSpec((_D, _C), lambda t: (0, 0)),
            pl.BlockSpec((_D, _C), lambda t: (0, 0)),
            pl.BlockSpec((_D, _C), lambda t: (0, 0)),
            pl.BlockSpec((_D, _D), lambda t: (0, 0)),
            pl.BlockSpec((_D, _D), lambda t: (0, 0)),
            pl.BlockSpec((_BT, _N), lambda t: (t, 0)),
            pl.BlockSpec((_BT, _N), lambda t: (t, 0)),
        ],
        out_specs=[pl.BlockSpec((_BT, _D), lambda t: (t, 0))] * 4,
        out_shape=[jax.ShapeDtypeStruct((_T, _D), jnp.bfloat16)] * 4,
    )(xm, Wq, Wk, Wv, Wg, bm, rm, cos, sin)

    o = pl.pallas_call(
        _attn_kernel,
        grid=(_H // 2, _NTB),
        in_specs=[
            pl.BlockSpec((_BT, 2 * _N), lambda h, t: (t, h)),
            pl.BlockSpec((_T, 2 * _N), lambda h, t: (0, h)),
            pl.BlockSpec((_T, 2 * _N), lambda h, t: (0, h)),
        ],
        out_specs=pl.BlockSpec((_BT, 2 * _N), lambda h, t: (t, h)),
        out_shape=jax.ShapeDtypeStruct((_T, _D), jnp.bfloat16),
        scratch_shapes=[pltpu.VMEM((_BT, 128), f32),
                        pltpu.VMEM((_BT, 2 * _N), f32)],
    )(q, k, v)

    x2, xf, wts, idxs = pl.pallas_call(
        _router_kernel,
        grid=(_NTB,),
        in_specs=[
            pl.BlockSpec((_BT, _C), lambda t: (t, 0)),
            pl.BlockSpec((_BT, _D), lambda t: (t, 0)),
            pl.BlockSpec((_BT, _D), lambda t: (t, 0)),
            pl.BlockSpec((_C, _D), lambda t: (0, 0)),
            pl.BlockSpec((_E, _C), lambda t: (0, 0)),
        ],
        out_specs=[
            pl.BlockSpec((_BT, _C), lambda t: (t, 0)),
            pl.BlockSpec((_BT, _C), lambda t: (t, 0)),
            pl.BlockSpec((_BT, 128), lambda t: (t, 0)),
            pl.BlockSpec((_BT, 128), lambda t: (t, 0)),
        ],
        out_shape=[
            jax.ShapeDtypeStruct((_T, _C), f32),
            jax.ShapeDtypeStruct((_T, _C), f32),
            jax.ShapeDtypeStruct((_T, 128), f32),
            jax.ShapeDtypeStruct((_T, 128), jnp.int32),
        ],
    )(xm, o, g, Wo, Wgate)

    ea = jnp.concatenate([idxs[:, 0], idxs[:, 1]]).reshape(8, 512)
    pos8, meta = pl.pallas_call(
        _sort_kernel,
        grid=(1,),
        in_specs=[
            pl.BlockSpec((8, 512), lambda i: (0, 0)),
            pl.BlockSpec((512, 512), lambda i: (0, 0)),
            pl.BlockSpec((_E, _E), lambda i: (0, 0)),
        ],
        out_specs=[
            pl.BlockSpec((8, 512), lambda i: (0, 0)),
            pl.BlockSpec((_E, 128), lambda i: (0, 0)),
        ],
        out_shape=[
            jax.ShapeDtypeStruct((8, 512), jnp.int32),
            jax.ShapeDtypeStruct((_E, 128), jnp.int32),
        ],
    )(ea, tri, ltri)
    posj = pos8.reshape(_NA)
    off_arr = meta[:, 0]
    nch_arr = meta[:, 1]

    xsrt = _sc_dispatch(xf, posj)

    bsk2 = jnp.broadcast_to(bsk[None, :], (8, _FF))
    bsv2 = jnp.broadcast_to(bsv[None, :], (8, _C))
    wsgp = jnp.pad(Wsg, ((0, 127), (0, 0)))
    sh = pl.pallas_call(
        _shared_kernel,
        grid=(_NTB,),
        in_specs=[
            pl.BlockSpec((_BT, _C), lambda t: (t, 0)),
            pl.BlockSpec((_FF, _C), lambda t: (0, 0)),
            pl.BlockSpec((_C, _FF), lambda t: (0, 0)),
            pl.BlockSpec((8, _FF), lambda t: (0, 0)),
            pl.BlockSpec((8, _C), lambda t: (0, 0)),
            pl.BlockSpec((128, _C), lambda t: (0, 0)),
        ],
        out_specs=pl.BlockSpec((_BT, _C), lambda t: (t, 0)),
        out_shape=jax.ShapeDtypeStruct((_T, _C), f32),
    )(xf, Wsk, Wsv, bsk2, bsv2, wsgp)

    ysrt = pl.pallas_call(
        _ffn_kernel,
        grid_spec=pltpu.PrefetchScalarGridSpec(
            num_scalar_prefetch=2,
            grid=(_E,),
            in_specs=[
                pl.BlockSpec((_NROWS, _C), lambda e, so, sn: (0, 0)),
                pl.BlockSpec((1, _FF, _C), lambda e, so, sn: (e, 0, 0)),
                pl.BlockSpec((1, _C, _FF), lambda e, so, sn: (e, 0, 0)),
            ],
            out_specs=pl.BlockSpec((_NROWS, _C), lambda e, so, sn: (0, 0)),
        ),
        out_shape=jax.ShapeDtypeStruct((_NROWS, _C), f32),
    )(off_arr, nch_arr, xsrt, W1, W2)

    y0, y1 = _sc_collect(ysrt, posj)

    out = pl.pallas_call(
        _final_kernel,
        grid=(_NTB,),
        in_specs=[
            pl.BlockSpec((_BT, _C), lambda t: (t, 0)),
            pl.BlockSpec((_BT, _C), lambda t: (t, 0)),
            pl.BlockSpec((_BT, _C), lambda t: (t, 0)),
            pl.BlockSpec((_BT, 128), lambda t: (t, 0)),
            pl.BlockSpec((_BT, _C), lambda t: (t, 0)),
        ],
        out_specs=pl.BlockSpec((_BT, _C), lambda t: (t, 0)),
        out_shape=jax.ShapeDtypeStruct((_T, _C), f32),
    )(x2, y0, y1, wts, sh)

    return out.reshape(1, _T, _C)

# --- scband reference (transcript-rebuilt; emitter-appended) ---
"""Pipeline reference for scband-mo-eblock-32581621907469 (READ-ONLY COPY).

The authoritative reference and input builder live on the scoring server;
editing this copy changes nothing except your own understanding.
"""

import jax, jax.numpy as jnp
import numpy as np

EPS = float(np.finfo(np.float32).eps)
B, T, C = 1, 2048, 768
H, N = 12, 64
E, K, FF = 64, 2, 512


def _rms(x):
    return x / jnp.sqrt(jnp.mean(x * x, axis=-1, keepdims=True) + EPS)


def _rope_tables(t_len, n_dim):
    half = n_dim // 2
    inv = 1.0 / (10000.0 ** (np.arange(half, dtype=np.float64) / half))
    freqs = np.outer(np.arange(t_len, dtype=np.float64), inv)
    emb = np.concatenate([freqs, freqs], axis=-1)
    return jnp.asarray(np.cos(emb), dtype=jnp.float32), jnp.asarray(np.sin(emb), dtype=jnp.float32)


def _rotary(q, cos, sin):
    half = q.shape[-1] // 2
    q1, q2 = q[..., :half], q[..., half:]
    rot = jnp.concatenate([-q2, q1], axis=-1)
    return q * cos[None, :, None, :] + rot * sin[None, :, None, :]


def setup_inputs(seed: int = 0):
    key = jax.random.key(seed)
    ks = jax.random.split(key, 14)
    s = 0.02
    cos, sin = _rope_tables(T, N)
    return {
        "x": jax.random.normal(ks[0], (B, T, C), jnp.float32),
        "cos": cos,
        "sin": sin,
        "Wq": jax.random.normal(ks[1], (H * N, C), jnp.float32) * s,
        "Wk": jax.random.normal(ks[2], (H * N, C), jnp.float32) * s,
        "Wv": jax.random.normal(ks[3], (H * N, C), jnp.float32) * s,
        "Wg": jax.random.normal(ks[4], (H * N, C), jnp.float32) * s,
        "Wo": jax.random.normal(ks[5], (C, H * N), jnp.float32) * s,
        "Wgate": jax.random.normal(ks[6], (E, C), jnp.float32) * s,
        "W1": jax.random.normal(ks[7], (E, FF, C), jnp.float32) * s,
        "W2": jax.random.normal(ks[8], (E, C, FF), jnp.float32) * s,
        "Wsg": jax.random.normal(ks[9], (1, C), jnp.float32) * s,
        "Wsk": jax.random.normal(ks[10], (FF, C), jnp.float32) * s,
        "bsk": jnp.zeros((FF,), jnp.float32),
        "Wsv": jax.random.normal(ks[11], (C, FF), jnp.float32) * s,
        "bsv": jnp.zeros((C,), jnp.float32),
    }


def reference(x, cos, sin, Wq, Wk, Wv, Wg, Wo, Wgate, W1, W2, Wsg, Wsk, bsk, Wsv, bsv):
    # --- CausalSoftmaxAttention ---
    xn = _rms(x)
    q = (xn @ Wq.T).reshape(B, T, H, N)
    k = (xn @ Wk.T).reshape(B, T, H, N)
    v = (xn @ Wv.T).reshape(B, T, H, N)
    g = xn @ Wg.T
    q = _rotary(_rms(q), cos, sin)
    k = _rotary(_rms(k), cos, sin)
    qh = q.transpose(0, 2, 1, 3)
    kh = k.transpose(0, 2, 1, 3)
    vh = v.transpose(0, 2, 1, 3)
    att = (qh @ kh.transpose(0, 1, 3, 2)) / jnp.sqrt(jnp.float32(N))
    mask = jnp.tril(jnp.ones((T, T), dtype=bool))
    att = jnp.where(mask[None, None, :, :], att, jnp.float32(-1e30))
    att = jax.nn.softmax(att, axis=-1)
    o = (att @ vh).transpose(0, 2, 1, 3).reshape(B, T, H * N)
    x = x + (o * jax.nn.sigmoid(g)) @ Wo.T
    # --- MoE ---
    xf = _rms(x.reshape(-1, C))
    scores = jax.nn.softmax(xf @ Wgate.T, axis=-1)
    topw, topi = jax.lax.top_k(scores, K)
    topw = topw / (jnp.sum(topw, axis=-1, keepdims=True) + 1e-6)
    out = jnp.zeros_like(xf)
    for e in range(E):
        ge = jnp.sum(topw * (topi == e).astype(topw.dtype), axis=-1)
        h = jnp.square(jax.nn.relu(xf @ W1[e].T))
        out = out + ge[:, None] * (h @ W2[e].T)
    # shared expert (MLP applies rms-norm to its own input)
    xs = _rms(xf)
    hs = jnp.square(jax.nn.relu(xs @ Wsk.T + bsk))
    shared = hs @ Wsv.T + bsv
    out = out + jax.nn.sigmoid(xf @ Wsg.T) * shared
    return x + out.reshape(B, T, C)

if __name__ == "__main__":
    import jax
    _d = setup_inputs()
    print(jax.jit(kernel)(*tuple(_d.values())))

</pallas_src>

<mosaic_0001>
#map = affine_map<(d0, d1) -> (0, 0)>
#map1 = affine_map<(d0, d1) -> (0)>
module attributes {stable_mosaic.version = 14 : i64} {
  func.func @k(%arg0: i32, %arg1: i32, %arg2: memref<4736x768xf32, #tpu.memory_space<hbm>>, %arg3: memref<4096xi32, #tpu.memory_space<hbm>>, %arg4: memref<2048x768xf32, #tpu.memory_space<hbm>>, %arg5: memref<2048x768xf32, #tpu.memory_space<hbm>>, %arg6: memref<128xi32, #tpu.memory_space<vmem>>, %arg7: memref<128x768xf32, #tpu.memory_space<vmem>>, %arg8: memref<!tpu.dma_semaphore, #tpu.memory_space<semaphore_mem>>) attributes {dimension_semantics = [#tpu.dimension_semantics<core_parallel>, #tpu.dimension_semantics<subcore_parallel>], iteration_bounds = array<i64: 2, 16>, scalar_prefetch = 0 : i64, scratch_operands = 3 : i64, tpu.core_type = #tpu.core_type<sc_vector_subcore>, window_params = [{transform_indices = #map}, {transform_indices = #map1}, {transform_indices = #map}, {transform_indices = #map}]} {
    %mul3A = arith.constant 2 : i32
    %mul3A_0 = arith.muli %arg1, %mul3A : i32
    %add3A = arith.addi %mul3A_0, %arg0 : i32
    %mul3A_1 = arith.constant 128 : i32
    %mul3A_2 = arith.muli %add3A, %mul3A_1 : i32
    %rem3A = arith.constant 2048 : i32
    %rem3A_3 = arith.remsi %mul3A_2, %rem3A : i32
    "tpu.region"() ({
      %run_scoped3A = tpu.sem_alloc : memref<!tpu.dma_semaphore, #tpu.memory_space<semaphore_mem>>
      %dma_start3A_14 = tpu.memref_slice %arg3[%mul3A_2] : memref<4096xi32, #tpu.memory_space<hbm>> -> memref<128xi32, #tpu.memory_space<hbm>>
      %dma_start3A_15 = tpu.memref_slice %arg3[%mul3A_2] : memref<4096xi32, #tpu.memory_space<hbm>> -> memref<128xi32, #tpu.memory_space<hbm>>
      tpu.enqueue_dma source(%dma_start3A_15 : memref<128xi32, #tpu.memory_space<hbm>>) target(%arg6 : memref<128xi32, #tpu.memory_space<vmem>>) target_semaphore(%run_scoped3A : memref<!tpu.dma_semaphore, #tpu.memory_space<semaphore_mem>>)
      %dma_wait3A_16 = tpu.memref_slice %arg3[%mul3A_2] : memref<4096xi32, #tpu.memory_space<hbm>> -> memref<128xi32, #tpu.memory_space<hbm>>
      %dma_wait3A_17 = tpu.memref_slice %arg3[%mul3A_2] : memref<4096xi32, #tpu.memory_space<hbm>> -> memref<128xi32, #tpu.memory_space<hbm>>
      tpu.wait_dma2 semaphore(%run_scoped3A : memref<!tpu.dma_semaphore, #tpu.memory_space<semaphore_mem>>) src(%dma_wait3A_17 : memref<128xi32, #tpu.memory_space<hbm>>) dst(%arg6 : memref<128xi32, #tpu.memory_space<vmem>>)
      tpu.yield
    }) : () -> ()
    %dma_start3A = arith.constant 0 : i32
    %dma_start3A_4 = arith.constant 0 : i32
    %dma_start3A_5 = tpu.memref_slice %arg2[%dma_start3A, %dma_start3A_4] : memref<4736x768xf32, #tpu.memory_space<hbm>> -> memref<4736x768xf32, #tpu.memory_space<hbm>>
    tpu.enqueue_indirect_dma source(%dma_start3A_5 : memref<4736x768xf32, #tpu.memory_space<hbm>>) target(%arg7 : memref<128x768xf32, #tpu.memory_space<vmem>>) offsets(%arg6 : memref<128xi32, #tpu.memory_space<vmem>>) semaphore(%arg8 : memref<!tpu.dma_semaphore, #tpu.memory_space<semaphore_mem>>)
    %dma_wait3A = arith.constant 0 : i32
    %dma_wait3A_6 = arith.constant 0 : i32
    %dma_wait3A_7 = tpu.memref_slice %arg2[%dma_wait3A, %dma_wait3A_6] : memref<4736x768xf32, #tpu.memory_space<hbm>> -> memref<4736x768xf32, #tpu.memory_space<hbm>>
    tpu.wait_indirect_dma semaphore(%arg8 : memref<!tpu.dma_semaphore, #tpu.memory_space<semaphore_mem>>) src(%dma_wait3A_7 : memref<4736x768xf32, #tpu.memory_space<hbm>>) dst(%arg7 : memref<128x768xf32, #tpu.memory_space<vmem>>)
    %lt3A = arith.constant 16 : i32
    %lt3A_8 = arith.cmpi slt, %add3A, %lt3A : i32
    %convert_element_type3A = arith.extui %lt3A_8 : i1 to i32
    %cond3A = arith.constant 0 : i32
    %cond3A_9 = arith.cmpi ne, %convert_element_type3A, %cond3A : i32
    scf.if %cond3A_9 {
      "tpu.region"() ({
        %run_scoped3A = tpu.sem_alloc : memref<!tpu.dma_semaphore, #tpu.memory_space<semaphore_mem>>
        %dma_start3A_14 = arith.constant 0 : i32
        %dma_start3A_15 = tpu.memref_slice %arg4[%rem3A_3, %dma_start3A_14] : memref<2048x768xf32, #tpu.memory_space<hbm>> -> memref<128x768xf32, #tpu.memory_space<hbm>>
        %dma_start3A_16 = arith.constant 0 : i32
        %dma_start3A_17 = tpu.memref_slice %arg4[%rem3A_3, %dma_start3A_16] : memref<2048x768xf32, #tpu.memory_space<hbm>> -> memref<128x768xf32, #tpu.memory_space<hbm>>
        tpu.enqueue_dma source(%arg7 : memref<128x768xf32, #tpu.memory_space<vmem>>) target(%dma_start3A_17 : memref<128x768xf32, #tpu.memory_space<hbm>>) target_semaphore(%run_scoped3A : memref<!tpu.dma_semaphore, #tpu.memory_space<semaphore_mem>>)
        %dma_wait3A_18 = arith.constant 0 : i32
        %dma_wait3A_19 = tpu.memref_slice %arg4[%rem3A_3, %dma_wait3A_18] : memref<2048x768xf32, #tpu.memory_space<hbm>> -> memref<128x768xf32, #tpu.memory_space<hbm>>
        %dma_wait3A_20 = arith.constant 0 : i32
        %dma_wait3A_21 = tpu.memref_slice %arg4[%rem3A_3, %dma_wait3A_20] : memref<2048x768xf32, #tpu.memory_space<hbm>> -> memref<128x768xf32, #tpu.memory_space<hbm>>
        tpu.wait_dma2 semaphore(%run_scoped3A : memref<!tpu.dma_semaphore, #tpu.memory_space<semaphore_mem>>) src(%arg7 : memref<128x768xf32, #tpu.memory_space<vmem>>) dst(%dma_wait3A_21 : memref<128x768xf32, #tpu.memory_space<hbm>>)
        tpu.yield
      }) : () -> ()
    } else {
    }
    %ge3A = arith.constant 16 : i32
    %ge3A_10 = arith.cmpi sge, %add3A, %ge3A : i32
    %convert_element_type3A_11 = arith.extui %ge3A_10 : i1 to i32
    %cond3A_12 = arith.constant 0 : i32
    %cond3A_13 = arith.cmpi ne, %convert_element_type3A_11, %cond3A_12 : i32
    scf.if %cond3A_13 {
      "tpu.region"() ({
        %run_scoped3A = tpu.sem_alloc : memref<!tpu.dma_semaphore, #tpu.memory_space<semaphore_mem>>
        %dma_start3A_14 = arith.constant 0 : i32
        %dma_start3A_15 = tpu.memref_slice %arg5[%rem3A_3, %dma_start3A_14] : memref<2048x768xf32, #tpu.memory_space<hbm>> -> memref<128x768xf32, #tpu.memory_space<hbm>>
        %dma_start3A_16 = arith.constant 0 : i32
        %dma_start3A_17 = tpu.memref_slice %arg5[%rem3A_3, %dma_start3A_16] : memref<2048x768xf32, #tpu.memory_space<hbm>> -> memref<128x768xf32, #tpu.memory_space<hbm>>
        tpu.enqueue_dma source(%arg7 : memref<128x768xf32, #tpu.memory_space<vmem>>) target(%dma_start3A_17 : memref<128x768xf32, #tpu.memory_space<hbm>>) target_semaphore(%run_scoped3A : memref<!tpu.dma_semaphore, #tpu.memory_space<semaphore_mem>>)
        %dma_wait3A_18 = arith.constant 0 : i32
        %dma_wait3A_19 = tpu.memref_slice %arg5[%rem3A_3, %dma_wait3A_18] : memref<2048x768xf32, #tpu.memory_space<hbm>> -> memref<128x768xf32, #tpu.memory_space<hbm>>
        %dma_wait3A_20 = arith.constant 0 : i32
        %dma_wait3A_21 = tpu.memref_slice %arg5[%rem3A_3, %dma_wait3A_20] : memref<2048x768xf32, #tpu.memory_space<hbm>> -> memref<128x768xf32, #tpu.memory_space<hbm>>
        tpu.wait_dma2 semaphore(%run_scoped3A : memref<!tpu.dma_semaphore, #tpu.memory_space<semaphore_mem>>) src(%arg7 : memref<128x768xf32, #tpu.memory_space<vmem>>) dst(%dma_wait3A_21 : memref<128x768xf32, #tpu.memory_space<hbm>>)
        tpu.yield
      }) : () -> ()
    } else {
    }
    return
  }
}

#map = affine_map<(d0, d1) -> (0, 0)>
#map1 = affine_map<(d0, d1) -> (0)>
module attributes {stable_mosaic.version = 14 : i64} {
  func.func @k(%arg0: i32, %arg1: i32, %arg2: memref<2048x768xf32, #tpu.memory_space<hbm>>, %arg3: memref<4096xi32, #tpu.memory_space<hbm>>, %arg4: memref<4736x768xf32, #tpu.memory_space<hbm>>, %arg5: memref<128xi32, #tpu.memory_space<vmem>>, %arg6: memref<128x768xf32, #tpu.memory_space<vmem>>, %arg7: memref<!tpu.dma_semaphore, #tpu.memory_space<semaphore_mem>>) attributes {dimension_semantics = [#tpu.dimension_semantics<core_parallel>, #tpu.dimension_semantics<subcore_parallel>], iteration_bounds = array<i64: 2, 16>, scalar_prefetch = 0 : i64, scratch_operands = 3 : i64, tpu.core_type = #tpu.core_type<sc_vector_subcore>, window_params = [{transform_indices = #map}, {transform_indices = #map1}, {transform_indices = #map}]} {
    %mul3A = arith.constant 2 : i32
    %mul3A_0 = arith.muli %arg1, %mul3A : i32
    %add3A = arith.addi %mul3A_0, %arg0 : i32
    %mul3A_1 = arith.constant 128 : i32
    %mul3A_2 = arith.muli %add3A, %mul3A_1 : i32
    %rem3A = arith.constant 2048 : i32
    %rem3A_3 = arith.remsi %mul3A_2, %rem3A : i32
    "tpu.region"() ({
      %run_scoped3A = tpu.sem_alloc : memref<!tpu.dma_semaphore, #tpu.memory_space<semaphore_mem>>
      %dma_start3A_8 = tpu.memref_slice %arg3[%mul3A_2] : memref<4096xi32, #tpu.memory_space<hbm>> -> memref<128xi32, #tpu.memory_space<hbm>>
      %dma_start3A_9 = tpu.memref_slice %arg3[%mul3A_2] : memref<4096xi32, #tpu.memory_space<hbm>> -> memref<128xi32, #tpu.memory_space<hbm>>
      tpu.enqueue_dma source(%dma_start3A_9 : memref<128xi32, #tpu.memory_space<hbm>>) target(%arg5 : memref<128xi32, #tpu.memory_space<vmem>>) target_semaphore(%run_scoped3A : memref<!tpu.dma_semaphore, #tpu.memory_space<semaphore_mem>>)
      %dma_wait3A_10 = tpu.memref_slice %arg3[%mul3A_2] : memref<4096xi32, #tpu.memory_space<hbm>> -> memref<128xi32, #tpu.memory_space<hbm>>
      %dma_wait3A_11 = tpu.memref_slice %arg3[%mul3A_2] : memref<4096xi32, #tpu.memory_space<hbm>> -> memref<128xi32, #tpu.memory_space<hbm>>
      tpu.wait_dma2 semaphore(%run_scoped3A : memref<!tpu.dma_semaphore, #tpu.memory_space<semaphore_mem>>) src(%dma_wait3A_11 : memref<128xi32, #tpu.memory_space<hbm>>) dst(%arg5 : memref<128xi32, #tpu.memory_space<vmem>>)
      tpu.yield
    }) : () -> ()
    "tpu.region"() ({
      %run_scoped3A = tpu.sem_alloc : memref<!tpu.dma_semaphore, #tpu.memory_space<semaphore_mem>>
      %dma_start3A_8 = arith.constant 0 : i32
      %dma_start3A_9 = tpu.memref_slice %arg2[%rem3A_3, %dma_start3A_8] : memref<2048x768xf32, #tpu.memory_space<hbm>> -> memref<128x768xf32, #tpu.memory_space<hbm>>
      %dma_start3A_10 = arith.constant 0 : i32
      %dma_start3A_11 = tpu.memref_slice %arg2[%rem3A_3, %dma_start3A_10] : memref<2048x768xf32, #tpu.memory_space<hbm>> -> memref<128x768xf32, #tpu.memory_space<hbm>>
      tpu.enqueue_dma source(%dma_start3A_11 : memref<128x768xf32, #tpu.memory_space<hbm>>) target(%arg6 : memref<128x768xf32, #tpu.memory_space<vmem>>) target_semaphore(%run_scoped3A : memref<!tpu.dma_semaphore, #tpu.memory_space<semaphore_mem>>)
      %dma_wait3A_12 = arith.constant 0 : i32
      %dma_wait3A_13 = tpu.memref_slice %arg2[%rem3A_3, %dma_wait3A_12] : memref<2048x768xf32, #tpu.memory_space<hbm>> -> memref<128x768xf32, #tpu.memory_space<hbm>>
      %dma_wait3A_14 = arith.constant 0 : i32
      %dma_wait3A_15 = tpu.memref_slice %arg2[%rem3A_3, %dma_wait3A_14] : memref<2048x768xf32, #tpu.memory_space<hbm>> -> memref<128x768xf32, #tpu.memory_space<hbm>>
      tpu.wait_dma2 semaphore(%run_scoped3A : memref<!tpu.dma_semaphore, #tpu.memory_space<semaphore_mem>>) src(%dma_wait3A_15 : memref<128x768xf32, #tpu.memory_space<hbm>>) dst(%arg6 : memref<128x768xf32, #tpu.memory_space<vmem>>)
      tpu.yield
    }) : () -> ()
    %dma_start3A = arith.constant 0 : i32
    %dma_start3A_4 = arith.constant 0 : i32
    %dma_start3A_5 = tpu.memref_slice %arg4[%dma_start3A, %dma_start3A_4] : memref<4736x768xf32, #tpu.memory_space<hbm>> -> memref<4736x768xf32, #tpu.memory_space<hbm>>
    tpu.enqueue_indirect_dma source(%arg6 : memref<128x768xf32, #tpu.memory_space<vmem>>) target(%dma_start3A_5 : memref<4736x768xf32, #tpu.memory_space<hbm>>) offsets(%arg5 : memref<128xi32, #tpu.memory_space<vmem>>) semaphore(%arg7 : memref<!tpu.dma_semaphore, #tpu.memory_space<semaphore_mem>>)
    %dma_wait3A = arith.constant 0 : i32
    %dma_wait3A_6 = arith.constant 0 : i32
    %dma_wait3A_7 = tpu.memref_slice %arg4[%dma_wait3A, %dma_wait3A_6] : memref<4736x768xf32, #tpu.memory_space<hbm>> -> memref<4736x768xf32, #tpu.memory_space<hbm>>
    tpu.wait_indirect_dma semaphore(%arg7 : memref<!tpu.dma_semaphore, #tpu.memory_space<semaphore_mem>>) src(%arg6 : memref<128x768xf32, #tpu.memory_space<vmem>>) dst(%dma_wait3A_7 : memref<4736x768xf32, #tpu.memory_space<hbm>>)
    return
  }
}

module attributes {stable_mosaic.version = 14 : i64} {
  func.func @_proj_kernel(%arg0: i32, %arg1: memref<256x768xf32, #tpu.memory_space<vmem>>, %arg2: memref<768x768xf32, #tpu.memory_space<vmem>>, %arg3: memref<768x768xf32, #tpu.memory_space<vmem>>, %arg4: memref<768x768xf32, #tpu.memory_space<vmem>>, %arg5: memref<768x768xf32, #tpu.memory_space<vmem>>, %arg6: memref<768x768xf32, #tpu.memory_space<vmem>>, %arg7: memref<768x768xf32, #tpu.memory_space<vmem>>, %arg8: memref<256x64xf32, #tpu.memory_space<vmem>>, %arg9: memref<256x64xf32, #tpu.memory_space<vmem>>, %arg10: memref<256x768xbf16, #tpu.memory_space<vmem>>, %arg11: memref<256x768xbf16, #tpu.memory_space<vmem>>, %arg12: memref<256x768xbf16, #tpu.memory_space<vmem>>, %arg13: memref<256x768xbf16, #tpu.memory_space<vmem>>) attributes {dimension_semantics = [#tpu.dimension_semantics<arbitrary>], iteration_bounds = array<i64: 8>, scalar_prefetch = 0 : i64, scratch_operands = 0 : i64, tpu.core_type = #tpu.core_type<tc>, window_params = [{transform_indices = @transform_0, window_bounds = array<i64: 256, 768>}, {pipeline_mode = #tpu.pipeline_mode<synchronous>, transform_indices = @transform_1, window_bounds = array<i64: 768, 768>}, {pipeline_mode = #tpu.pipeline_mode<synchronous>, transform_indices = @transform_2, window_bounds = array<i64: 768, 768>}, {pipeline_mode = #tpu.pipeline_mode<synchronous>, transform_indices = @transform_3, window_bounds = array<i64: 768, 768>}, {pipeline_mode = #tpu.pipeline_mode<synchronous>, transform_indices = @transform_4, window_bounds = array<i64: 768, 768>}, {pipeline_mode = #tpu.pipeline_mode<synchronous>, transform_indices = @transform_5, window_bounds = array<i64: 768, 768>}, {pipeline_mode = #tpu.pipeline_mode<synchronous>, transform_indices = @transform_6, window_bounds = array<i64: 768, 768>}, {transform_indices = @transform_7, window_bounds = array<i64: 256, 64>}, {transform_indices = @transform_8, window_bounds = array<i64: 256, 64>}, {transform_indices = @transform_9, window_bounds = array<i64: 256, 768>}, {transform_indices = @transform_10, window_bounds = array<i64: 256, 768>}, {transform_indices = @transform_11, window_bounds = array<i64: 256, 768>}, {transform_indices = @transform_12, window_bounds = array<i64: 256, 768>}]} {
    %get3A = arith.constant 0 : index
    %get3A_0 = arith.constant 0 : index
    %get3A_1 = vector.load %arg1[%get3A, %get3A_0] : memref<256x768xf32, #tpu.memory_space<vmem>>, vector<256x768xf32>
    %mul3A = arith.mulf %get3A_1, %get3A_1 : vector<256x768xf32>
    %reduce_sum3A = arith.constant dense<0.000000e+00> : vector<256xf32>
    %reduce_sum3A_2 = vector.multi_reduction <add>, %mul3A, %reduce_sum3A [1] : vector<256x768xf32> to vector<256xf32>
    %broadcast_in_dim3A = vector.shape_cast %reduce_sum3A_2 : vector<256xf32> to vector<256x1xf32>
    %div3A = arith.constant 7.680000e+02 : f32
    %div3A_3 = vector.broadcast %div3A : f32 to vector<256x1xf32>
    %div3A_4 = arith.divf %broadcast_in_dim3A, %div3A_3 : vector<256x1xf32>
    %add3A = arith.constant 1.1920929E-7 : f32
    %add3A_5 = vector.broadcast %add3A : f32 to vector<256x1xf32>
    %add3A_6 = arith.addf %div3A_4, %add3A_5 : vector<256x1xf32>
    %rsqrt3A = math.rsqrt %add3A_6 : vector<256x1xf32>
    %mul3A_7 = vector.broadcast %rsqrt3A : vector<256x1xf32> to vector<256x768xf32>
    %mul3A_8 = arith.mulf %get3A_1, %mul3A_7 : vector<256x768xf32>
    %convert_element_type3A = arith.truncf %mul3A_8 : vector<256x768xf32> to vector<256x768xbf16>
    %get3A_9 = arith.constant 0 : index
    %get3A_10 = arith.constant 0 : index
    %get3A_11 = vector.load %arg2[%get3A_9, %get3A_10] : memref<768x768xf32, #tpu.memory_space<vmem>>, vector<768x768xf32>
    %convert_element_type3A_12 = arith.truncf %get3A_11 : vector<768x768xf32> to vector<768x768xbf16>
    %dot_general3A = arith.constant dense<0.000000e+00> : vector<256x768xf32>
    %dot_general3A_13 = tpu.matmul %convert_element_type3A, %convert_element_type3A_12, %dot_general3A {dimension_numbers = #tpu.dot_dimension_numbers<[1], [1], [0], [0], [0, 0, 1, 0], [], []>, transpose_lhs_hint = false} : vector<256x768xbf16>, vector<768x768xbf16>, vector<256x768xf32> -> vector<256x768xf32>
    %get3A_14 = arith.constant 0 : index
    %get3A_15 = arith.constant 0 : index
    %get3A_16 = vector.load %arg3[%get3A_14, %get3A_15] : memref<768x768xf32, #tpu.memory_space<vmem>>, vector<768x768xf32>
    %convert_element_type3A_17 = arith.truncf %get3A_16 : vector<768x768xf32> to vector<768x768xbf16>
    %dot_general3A_18 = arith.constant dense<0.000000e+00> : vector<256x768xf32>
    %dot_general3A_19 = tpu.matmul %convert_element_type3A, %convert_element_type3A_17, %dot_general3A_18 {dimension_numbers = #tpu.dot_dimension_numbers<[1], [1], [0], [0], [0, 0, 1, 0], [], []>, transpose_lhs_hint = false} : vector<256x768xbf16>, vector<768x768xbf16>, vector<256x768xf32> -> vector<256x768xf32>
    %get3A_20 = arith.constant 0 : index
    %get3A_21 = arith.constant 0 : index
    %get3A_22 = vector.load %arg4[%get3A_20, %get3A_21] : memref<768x768xf32, #tpu.memory_space<vmem>>, vector<768x768xf32>
    %convert_element_type3A_23 = arith.truncf %get3A_22 : vector<768x768xf32> to vector<768x768xbf16>
    %dot_general3A_24 = arith.constant dense<0.000000e+00> : vector<256x768xf32>
    %dot_general3A_25 = tpu.matmul %convert_element_type3A, %convert_element_type3A_23, %dot_general3A_24 {dimension_numbers = #tpu.dot_dimension_numbers<[1], [1], [0], [0], [0, 0, 1, 0], [], []>, transpose_lhs_hint = false} : vector<256x768xbf16>, vector<768x768xbf16>, vector<256x768xf32> -> vector<256x768xf32>
    %convert_element_type3A_26 = arith.truncf %dot_general3A_25 : vector<256x768xf32> to vector<256x768xbf16>
    %swap3A = arith.constant 0 : index
    %swap3A_27 = arith.constant 0 : index
    %swap3A_28 = vector.load %arg12[%swap3A, %swap3A_27] : memref<256x768xbf16, #tpu.memory_space<vmem>>, vector<256x768xbf16>
    tpu.vector_store %arg12[%swap3A, %swap3A_27], %convert_element_type3A_26 {strides = array<i32>} : memref<256x768xbf16, #tpu.memory_space<vmem>>, vector<256x768xbf16>,
    %get3A_29 = arith.constant 0 : index
    %get3A_30 = arith.constant 0 : index
    %get3A_31 = vector.load %arg5[%get3A_29, %get3A_30] : memref<768x768xf32, #tpu.memory_space<vmem>>, vector<768x768xf32>
    %convert_element_type3A_32 = arith.truncf %get3A_31 : vector<768x768xf32> to vector<768x768xbf16>
    %dot_general3A_33 = arith.constant dense<0.000000e+00> : vector<256x768xf32>
    %dot_general3A_34 = tpu.matmul %convert_element_type3A, %convert_element_type3A_32, %dot_general3A_33 {dimension_numbers = #tpu.dot_dimension_numbers<[1], [1], [0], [0], [0, 0, 1, 0], [], []>, transpose_lhs_hint = false} : vector<256x768xbf16>, vector<768x768xbf16>, vector<256x768xf32> -> vector<256x768xf32>
    %convert_element_type3A_35 = arith.truncf %dot_general3A_34 : vector<256x768xf32> to vector<256x768xbf16>
    %swap3A_36 = arith.constant 0 : index
    %swap3A_37 = arith.constant 0 : index
    %swap3A_38 = vector.load %arg13[%swap3A_36, %swap3A_37] : memref<256x768xbf16, #tpu.memory_space<vmem>>, vector<256x768xbf16>
    tpu.vector_store %arg13[%swap3A_36, %swap3A_37], %convert_element_type3A_35 {strides = array<i32>} : memref<256x768xbf16, #tpu.memory_space<vmem>>, vector<256x768xbf16>,
    %get3A_39 = arith.constant 0 : index
    %get3A_40 = arith.constant 0 : index
    %get3A_41 = vector.load %arg6[%get3A_39, %get3A_40] : memref<768x768xf32, #tpu.memory_space<vmem>>, vector<768x768xf32>
    %convert_element_type3A_42 = arith.truncf %get3A_41 : vector<768x768xf32> to vector<768x768xbf16>
    %mul3A_43 = arith.mulf %dot_general3A_13, %dot_general3A_13 : vector<256x768xf32>
    %convert_element_type3A_44 = arith.truncf %mul3A_43 : vector<256x768xf32> to vector<256x768xbf16>
    %dot_general3A_45 = arith.constant dense<0.000000e+00> : vector<256x768xf32>
    %dot_general3A_46 = tpu.matmul %convert_element_type3A_44, %convert_element_type3A_42, %dot_general3A_45 {dimension_numbers = #tpu.dot_dimension_numbers<[1], [0], [0], [1], [0, 0, 1, 1], [], []>, transpose_lhs_hint = false} : vector<256x768xbf16>, vector<768x768xbf16>, vector<256x768xf32> -> vector<256x768xf32>
    %add3A_47 = arith.constant 1.1920929E-7 : f32
    %add3A_48 = vector.broadcast %add3A_47 : f32 to vector<256x768xf32>
    %add3A_49 = arith.addf %dot_general3A_46, %add3A_48 : vector<256x768xf32>
    %rsqrt3A_50 = math.rsqrt %add3A_49 : vector<256x768xf32>
    %mul3A_51 = arith.mulf %dot_general3A_13, %rsqrt3A_50 : vector<256x768xf32>
    %mul3A_52 = arith.mulf %dot_general3A_19, %dot_general3A_19 : vector<256x768xf32>
    %convert_element_type3A_53 = arith.truncf %mul3A_52 : vector<256x768xf32> to vector<256x768xbf16>
    %dot_general3A_54 = arith.constant dense<0.000000e+00> : vector<256x768xf32>
    %dot_general3A_55 = tpu.matmul %convert_element_type3A_53, %convert_element_type3A_42, %dot_general3A_54 {dimension_numbers = #tpu.dot_dimension_numbers<[1], [0], [0], [1], [0, 0, 1, 1], [], []>, transpose_lhs_hint = false} : vector<256x768xbf16>, vector<768x768xbf16>, vector<256x768xf32> -> vector<256x768xf32>
    %add3A_56 = arith.constant 1.1920929E-7 : f32
    %add3A_57 = vector.broadcast %add3A_56 : f32 to vector<256x768xf32>
    %add3A_58 = arith.addf %dot_general3A_55, %add3A_57 : vector<256x768xf32>
    %rsqrt3A_59 = math.rsqrt %add3A_58 : vector<256x768xf32>
    %mul3A_60 = arith.mulf %dot_general3A_19, %rsqrt3A_59 : vector<256x768xf32>
    %get3A_61 = arith.constant 0 : index
    %get3A_62 = arith.constant 0 : index
    %get3A_63 = vector.load %arg7[%get3A_61, %get3A_62] : memref<768x768xf32, #tpu.memory_space<vmem>>, vector<768x768xf32>
    %convert_element_type3A_64 = arith.truncf %get3A_63 : vector<768x768xf32> to vector<768x768xbf16>
    %get3A_65 = arith.constant 0 : index
    %get3A_66 = arith.constant 0 : index
    %get3A_67 = vector.load %arg8[%get3A_65, %get3A_66] : memref<256x64xf32, #tpu.memory_space<vmem>>, vector<256x64xf32>
    %concatenate3A = tpu.concatenate %get3A_67, %get3A_67, %get3A_67, %get3A_67, %get3A_67, %get3A_67, %get3A_67, %get3A_67, %get3A_67, %get3A_67, %get3A_67, %get3A_67 in 1 : vector<256x64xf32>, vector<256x64xf32>, vector<256x64xf32>, vector<256x64xf32>, vector<256x64xf32>, vector<256x64xf32>, vector<256x64xf32>, vector<256x64xf32>, vector<256x64xf32>, vector<256x64xf32>, vector<256x64xf32>, vector<256x64xf32> -> vector<256x768xf32>
    %get3A_68 = arith.constant 0 : index
    %get3A_69 = arith.constant 0 : index
    %get3A_70 = vector.load %arg9[%get3A_68, %get3A_69] : memref<256x64xf32, #tpu.memory_space<vmem>>, vector<256x64xf32>
    %concatenate3A_71 = tpu.concatenate %get3A_70, %get3A_70, %get3A_70, %get3A_70, %get3A_70, %get3A_70, %get3A_70, %get3A_70, %get3A_70, %get3A_70, %get3A_70, %get3A_70 in 1 : vector<256x64xf32>, vector<256x64xf32>, vector<256x64xf32>, vector<256x64xf32>, vector<256x64xf32>, vector<256x64xf32>, vector<256x64xf32>, vector<256x64xf32>, vector<256x64xf32>, vector<256x64xf32>, vector<256x64xf32>, vector<256x64xf32> -> vector<256x768xf32>
    %mul3A_72 = arith.mulf %mul3A_51, %concatenate3A : vector<256x768xf32>
    %convert_element_type3A_73 = arith.truncf %mul3A_51 : vector<256x768xf32> to vector<256x768xbf16>
    %dot_general3A_74 = arith.constant dense<0.000000e+00> : vector<256x768xf32>
    %dot_general3A_75 = tpu.matmul %convert_element_type3A_73, %convert_element_type3A_64, %dot_general3A_74 {dimension_numbers = #tpu.dot_dimension_numbers<[1], [0], [0], [1], [0, 0, 1, 1], [], []>, transpose_lhs_hint = false} : vector<256x768xbf16>, vector<768x768xbf16>, vector<256x768xf32> -> vector<256x768xf32>
    %mul3A_76 = arith.mulf %dot_general3A_75, %concatenate3A_71 : vector<256x768xf32>
    %add3A_77 = arith.addf %mul3A_72, %mul3A_76 : vector<256x768xf32>
    %convert_element_type3A_78 = arith.truncf %add3A_77 : vector<256x768xf32> to vector<256x768xbf16>
    %swap3A_79 = arith.constant 0 : index
    %swap3A_80 = arith.constant 0 : index
    %swap3A_81 = vector.load %arg10[%swap3A_79, %swap3A_80] : memref<256x768xbf16, #tpu.memory_space<vmem>>, vector<256x768xbf16>
    tpu.vector_store %arg10[%swap3A_79, %swap3A_80], %convert_element_type3A_78 {strides = array<i32>} : memref<256x768xbf16, #tpu.memory_space<vmem>>, vector<256x768xbf16>,
    %mul3A_82 = arith.mulf %mul3A_60, %concatenate3A : vector<256x768xf32>
    %convert_element_type3A_83 = arith.truncf %mul3A_60 : vector<256x768xf32> to vector<256x768xbf16>
    %dot_general3A_84 = arith.constant dense<0.000000e+00> : vector<256x768xf32>
    %dot_general3A_85 = tpu.matmul %convert_element_type3A_83, %convert_element_type3A_64, %dot_general3A_84 {dimension_numbers = #tpu.dot_dimension_numbers<[1], [0], [0], [1], [0, 0, 1, 1], [], []>, transpose_lhs_hint = false} : vector<256x768xbf16>, vector<768x768xbf16>, vector<256x768xf32> -> vector<256x768xf32>
    %mul3A_86 = arith.mulf %dot_general3A_85, %concatenate3A_71 : vector<256x768xf32>
    %add3A_87 = arith.addf %mul3A_82, %mul3A_86 : vector<256x768xf32>
    %convert_element_type3A_88 = arith.truncf %add3A_87 : vector<256x768xf32> to vector<256x768xbf16>
    %swap3A_89 = arith.constant 0 : index
    %swap3A_90 = arith.constant 0 : index
    %swap3A_91 = vector.load %arg11[%swap3A_89, %swap3A_90] : memref<256x768xbf16, #tpu.memory_space<vmem>>, vector<256x768xbf16>
    tpu.vector_store %arg11[%swap3A_89, %swap3A_90], %convert_element_type3A_88 {strides = array<i32>} : memref<256x768xbf16, #tpu.memory_space<vmem>>, vector<256x768xbf16>,
    return
  }
  func.func @transform_0(%arg0: i32) -> (i32, i32) {
    %c0_i32 = arith.constant 0 : i32
    %c0_i32_0 = arith.constant 0 : i32
    return %arg0, %c0_i32 : i32, i32
  }
  func.func @transform_1(%arg0: i32) -> (i32, i32) {
    %c0_i32 = arith.constant 0 : i32
    %c0_i32_0 = arith.constant 0 : i32
    %c0_i32_1 = arith.constant 0 : i32
    return %c0_i32, %c0_i32_0 : i32, i32
  }
  func.func @transform_2(%arg0: i32) -> (i32, i32) {
    %c0_i32 = arith.constant 0 : i32
    %c0_i32_0 = arith.constant 0 : i32
    %c0_i32_1 = arith.constant 0 : i32
    return %c0_i32, %c0_i32_0 : i32, i32
  }
  func.func @transform_3(%arg0: i32) -> (i32, i32) {
    %c0_i32 = arith.constant 0 : i32
    %c0_i32_0 = arith.constant 0 : i32
    %c0_i32_1 = arith.constant 0 : i32
    return %c0_i32, %c0_i32_0 : i32, i32
  }
  func.func @transform_4(%arg0: i32) -> (i32, i32) {
    %c0_i32 = arith.constant 0 : i32
    %c0_i32_0 = arith.constant 0 : i32
    %c0_i32_1 = arith.constant 0 : i32
    return %c0_i32, %c0_i32_0 : i32, i32
  }
  func.func @transform_5(%arg0: i32) -> (i32, i32) {
    %c0_i32 = arith.constant 0 : i32
    %c0_i32_0 = arith.constant 0 : i32
    %c0_i32_1 = arith.constant 0 : i32
    return %c0_i32, %c0_i32_0 : i32, i32
  }
  func.func @transform_6(%arg0: i32) -> (i32, i32) {
    %c0_i32 = arith.constant 0 : i32
    %c0_i32_0 = arith.constant 0 : i32
    %c0_i32_1 = arith.constant 0 : i32
    return %c0_i32, %c0_i32_0 : i32, i32
  }
  func.func @transform_7(%arg0: i32) -> (i32, i32) {
    %c0_i32 = arith.constant 0 : i32
    %c0_i32_0 = arith.constant 0 : i32
    return %arg0, %c0_i32 : i32, i32
  }
  func.func @transform_8(%arg0: i32) -> (i32, i32) {
    %c0_i32 = arith.constant 0 : i32
    %c0_i32_0 = arith.constant 0 : i32
    return %arg0, %c0_i32 : i32, i32
  }
  func.func @transform_9(%arg0: i32) -> (i32, i32) {
    %c0_i32 = arith.constant 0 : i32
    %c0_i32_0 = arith.constant 0 : i32
    return %arg0, %c0_i32 : i32, i32
  }
  func.func @transform_10(%arg0: i32) -> (i32, i32) {
    %c0_i32 = arith.constant 0 : i32
    %c0_i32_0 = arith.constant 0 : i32
    return %arg0, %c0_i32 : i32, i32
  }
  func.func @transform_11(%arg0: i32) -> (i32, i32) {
    %c0_i32 = arith.constant 0 : i32
    %c0_i32_0 = arith.constant 0 : i32
    return %arg0, %c0_i32 : i32, i32
  }
  func.func @transform_12(%arg0: i32) -> (i32, i32) {
    %c0_i32 = arith.constant 0 : i32
    %c0_i32_0 = arith.constant 0 : i32
    return %arg0, %c0_i32 : i32, i32
  }
}

module attributes {stable_mosaic.version = 14 : i64} {
  func.func @_router_kernel(%arg0: i32, %arg1: memref<256x768xf32, #tpu.memory_space<vmem>>, %arg2: memref<256x768xbf16, #tpu.memory_space<vmem>>, %arg3: memref<256x768xbf16, #tpu.memory_space<vmem>>, %arg4: memref<768x768xf32, #tpu.memory_space<vmem>>, %arg5: memref<64x768xf32, #tpu.memory_space<vmem>>, %arg6: memref<256x768xf32, #tpu.memory_space<vmem>>, %arg7: memref<256x768xf32, #tpu.memory_space<vmem>>, %arg8: memref<256x128xf32, #tpu.memory_space<vmem>>, %arg9: memref<256x128xi32, #tpu.memory_space<vmem>>) attributes {dimension_semantics = [#tpu.dimension_semantics<arbitrary>], iteration_bounds = array<i64: 8>, scalar_prefetch = 0 : i64, scratch_operands = 0 : i64, tpu.core_type = #tpu.core_type<tc>, window_params = [{transform_indices = @transform_0, window_bounds = array<i64: 256, 768>}, {transform_indices = @transform_1, window_bounds = array<i64: 256, 768>}, {transform_indices = @transform_2, window_bounds = array<i64: 256, 768>}, {pipeline_mode = #tpu.pipeline_mode<synchronous>, transform_indices = @transform_3, window_bounds = array<i64: 768, 768>}, {pipeline_mode = #tpu.pipeline_mode<synchronous>, transform_indices = @transform_4, window_bounds = array<i64: 64, 768>}, {transform_indices = @transform_5, window_bounds = array<i64: 256, 768>}, {transform_indices = @transform_6, window_bounds = array<i64: 256, 768>}, {transform_indices = @transform_7, window_bounds = array<i64: 256, 128>}, {transform_indices = @transform_8, window_bounds = array<i64: 256, 128>}]} {
    %get3A = arith.constant 0 : index
    %get3A_0 = arith.constant 0 : index
    %get3A_1 = vector.load %arg2[%get3A, %get3A_0] : memref<256x768xbf16, #tpu.memory_space<vmem>>, vector<256x768xbf16>
    %convert_element_type3A = arith.extf %get3A_1 : vector<256x768xbf16> to vector<256x768xf32>
    %get3A_2 = arith.constant 0 : index
    %get3A_3 = arith.constant 0 : index
    %get3A_4 = vector.load %arg3[%get3A_2, %get3A_3] : memref<256x768xbf16, #tpu.memory_space<vmem>>, vector<256x768xbf16>
    %convert_element_type3A_5 = arith.extf %get3A_4 : vector<256x768xbf16> to vector<256x768xf32>
    %logistic3A = arith.negf %convert_element_type3A_5 : vector<256x768xf32>
    %logistic3A_6 = math.exp %logistic3A : vector<256x768xf32>
    %logistic3A_7 = arith.constant 1.000000e+00 : f32
    %logistic3A_8 = vector.broadcast %logistic3A_7 : f32 to vector<256x768xf32>
    %logistic3A_9 = arith.addf %logistic3A_8, %logistic3A_6 : vector<256x768xf32>
    %logistic3A_10 = arith.divf %logistic3A_8, %logistic3A_9 : vector<256x768xf32>
    %mul3A = arith.mulf %convert_element_type3A, %logistic3A_10 : vector<256x768xf32>
    %get3A_11 = arith.constant 0 : index
    %get3A_12 = arith.constant 0 : index
    %get3A_13 = vector.load %arg1[%get3A_11, %get3A_12] : memref<256x768xf32, #tpu.memory_space<vmem>>, vector<256x768xf32>
    %convert_element_type3A_14 = arith.truncf %mul3A : vector<256x768xf32> to vector<256x768xbf16>
    %get3A_15 = arith.constant 0 : index
    %get3A_16 = arith.constant 0 : index
    %get3A_17 = vector.load %arg4[%get3A_15, %get3A_16] : memref<768x768xf32, #tpu.memory_space<vmem>>, vector<768x768xf32>
    %convert_element_type3A_18 = arith.truncf %get3A_17 : vector<768x768xf32> to vector<768x768xbf16>
    %dot_general3A = arith.constant dense<0.000000e+00> : vector<256x768xf32>
    %dot_general3A_19 = tpu.matmul %convert_element_type3A_14, %convert_element_type3A_18, %dot_general3A {dimension_numbers = #tpu.dot_dimension_numbers<[1], [1], [0], [0], [0, 0, 1, 0], [], []>, transpose_lhs_hint = false} : vector<256x768xbf16>, vector<768x768xbf16>, vector<256x768xf32> -> vector<256x768xf32>
    %add3A = arith.addf %get3A_13, %dot_general3A_19 : vector<256x768xf32>
    %swap3A = arith.constant 0 : index
    %swap3A_20 = arith.constant 0 : index
    %swap3A_21 = vector.load %arg6[%swap3A, %swap3A_20] : memref<256x768xf32, #tpu.memory_space<vmem>>, vector<256x768xf32>
    tpu.vector_store %arg6[%swap3A, %swap3A_20], %add3A {strides = array<i32>} : memref<256x768xf32, #tpu.memory_space<vmem>>, vector<256x768xf32>,
    %mul3A_22 = arith.mulf %add3A, %add3A : vector<256x768xf32>
    %reduce_sum3A = arith.constant dense<0.000000e+00> : vector<256xf32>
    %reduce_sum3A_23 = vector.multi_reduction <add>, %mul3A_22, %reduce_sum3A [1] : vector<256x768xf32> to vector<256xf32>
    %broadcast_in_dim3A = vector.shape_cast %reduce_sum3A_23 : vector<256xf32> to vector<256x1xf32>
    %div3A = arith.constant 7.680000e+02 : f32
    %div3A_24 = vector.broadcast %div3A : f32 to vector<256x1xf32>
    %div3A_25 = arith.divf %broadcast_in_dim3A, %div3A_24 : vector<256x1xf32>
    %add3A_26 = arith.constant 1.1920929E-7 : f32
    %add3A_27 = vector.broadcast %add3A_26 : f32 to vector<256x1xf32>
    %add3A_28 = arith.addf %div3A_25, %add3A_27 : vector<256x1xf32>
    %rsqrt3A = math.rsqrt %add3A_28 : vector<256x1xf32>
    %mul3A_29 = vector.broadcast %rsqrt3A : vector<256x1xf32> to vector<256x768xf32>
    %mul3A_30 = arith.mulf %add3A, %mul3A_29 : vector<256x768xf32>
    %swap3A_31 = arith.constant 0 : index
    %swap3A_32 = arith.constant 0 : index
    %swap3A_33 = vector.load %arg7[%swap3A_31, %swap3A_32] : memref<256x768xf32, #tpu.memory_space<vmem>>, vector<256x768xf32>
    tpu.vector_store %arg7[%swap3A_31, %swap3A_32], %mul3A_30 {strides = array<i32>} : memref<256x768xf32, #tpu.memory_space<vmem>>, vector<256x768xf32>,
    %get3A_34 = arith.constant 0 : index
    %get3A_35 = arith.constant 0 : index
    %get3A_36 = vector.load %arg5[%get3A_34, %get3A_35] : memref<64x768xf32, #tpu.memory_space<vmem>>, vector<64x768xf32>
    %dot_general3A_37 = arith.constant dense<0.000000e+00> : vector<256x64xf32>
    %dot_general3A_38 = tpu.matmul %mul3A_30, %get3A_36, %dot_general3A_37 {dimension_numbers = #tpu.dot_dimension_numbers<[1], [1], [0], [0], [0, 0, 1, 0], [], []>, transpose_lhs_hint = false} : vector<256x768xf32>, vector<64x768xf32>, vector<256x64xf32> -> vector<256x64xf32>
    %reduce_max3A = arith.constant dense<0xFF800000> : vector<256xf32>
    %reduce_max3A_39 = vector.multi_reduction <maximumf>, %dot_general3A_38, %reduce_max3A [1] : vector<256x64xf32> to vector<256xf32>
    %max3A = arith.constant 0xFF800000 : f32
    %max3A_40 = vector.broadcast %max3A : f32 to vector<256xf32>
    %max3A_41 = arith.maximumf %max3A_40, %reduce_max3A_39 : vector<256xf32>
    %broadcast_in_dim3A_42 = vector.shape_cast %max3A_41 : vector<256xf32> to vector<256x1xf32>
    %sub3A = vector.broadcast %broadcast_in_dim3A_42 : vector<256x1xf32> to vector<256x64xf32>
    %sub3A_43 = arith.subf %dot_general3A_38, %sub3A : vector<256x64xf32>
    %exp3A = math.exp %sub3A_43 : vector<256x64xf32>
    %reduce_sum3A_44 = arith.constant dense<0.000000e+00> : vector<256xf32>
    %reduce_sum3A_45 = vector.multi_reduction <add>, %exp3A, %reduce_sum3A_44 [1] : vector<256x64xf32> to vector<256xf32>
    %broadcast_in_dim3A_46 = vector.shape_cast %reduce_sum3A_45 : vector<256xf32> to vector<256x1xf32>
    %div3A_47 = vector.broadcast %broadcast_in_dim3A_46 : vector<256x1xf32> to vector<256x64xf32>
    %div3A_48 = arith.divf %exp3A, %div3A_47 : vector<256x64xf32>
    %iota3A = tpu.iota {dimensions = array<i32: 1>} : vector<256x64xi32>
    %reduce_max3A_49 = arith.constant dense<0xFF800000> : vector<256xf32>
    %reduce_max3A_50 = vector.multi_reduction <maximumf>, %div3A_48, %reduce_max3A_49 [1] : vector<256x64xf32> to vector<256xf32>
    %broadcast_in_dim3A_51 = vector.shape_cast %reduce_max3A_50 : vector<256xf32> to vector<256x1xf32>
    %eq3A = vector.broadcast %broadcast_in_dim3A_51 : vector<256x1xf32> to vector<256x64xf32>
    %eq3A_52 = arith.cmpf oeq, %div3A_48, %eq3A : vector<256x64xf32>
    %jit3A = arith.constant 64 : i32
    %broadcast_in_dim3A_53 = vector.broadcast %jit3A : i32 to vector<256x64xi32>
    %select_n3A = arith.select %eq3A_52, %iota3A, %broadcast_in_dim3A_53 : vector<256x64xi1>, vector<256x64xi32>
    %reduce_min3A = arith.constant dense<2147483647> : vector<256xi32>
    %reduce_min3A_54 = vector.multi_reduction <minsi>, %select_n3A, %reduce_min3A [1] : vector<256x64xi32> to vector<256xi32>
    %broadcast_in_dim3A_55 = vector.shape_cast %reduce_min3A_54 : vector<256xi32> to vector<256x1xi32>
    %eq3A_56 = vector.broadcast %broadcast_in_dim3A_55 : vector<256x1xi32> to vector<256x64xi32>
    %eq3A_57 = arith.cmpi eq, %iota3A, %eq3A_56 : vector<256x64xi32>
    %jit3A_58 = arith.constant -1.000000e+00 : f32
    %broadcast_in_dim3A_59 = vector.broadcast %jit3A_58 : f32 to vector<256x64xf32>
    %select_n3A_60 = arith.select %eq3A_57, %broadcast_in_dim3A_59, %div3A_48 : vector<256x64xi1>, vector<256x64xf32>
    %reduce_max3A_61 = arith.constant dense<0xFF800000> : vector<256xf32>
    %reduce_max3A_62 = vector.multi_reduction <maximumf>, %select_n3A_60, %reduce_max3A_61 [1] : vector<256x64xf32> to vector<256xf32>
    %broadcast_in_dim3A_63 = vector.shape_cast %reduce_max3A_62 : vector<256xf32> to vector<256x1xf32>
    %eq3A_64 = vector.broadcast %broadcast_in_dim3A_63 : vector<256x1xf32> to vector<256x64xf32>
    %eq3A_65 = arith.cmpf oeq, %select_n3A_60, %eq3A_64 : vector<256x64xf32>
    %jit3A_66 = arith.constant 64 : i32
    %broadcast_in_dim3A_67 = vector.broadcast %jit3A_66 : i32 to vector<256x64xi32>
    %select_n3A_68 = arith.select %eq3A_65, %iota3A, %broadcast_in_dim3A_67 : vector<256x64xi1>, vector<256x64xi32>
    %reduce_min3A_69 = arith.constant dense<2147483647> : vector<256xi32>
    %reduce_min3A_70 = vector.multi_reduction <minsi>, %select_n3A_68, %reduce_min3A_69 [1] : vector<256x64xi32> to vector<256xi32>
    %broadcast_in_dim3A_71 = vector.shape_cast %reduce_min3A_70 : vector<256xi32> to vector<256x1xi32>
    %add3A_72 = arith.addf %broadcast_in_dim3A_51, %broadcast_in_dim3A_63 : vector<256x1xf32>
    %add3A_73 = arith.constant 9.99999997E-7 : f32
    %add3A_74 = vector.broadcast %add3A_73 : f32 to vector<256x1xf32>
    %add3A_75 = arith.addf %add3A_72, %add3A_74 : vector<256x1xf32>
    %iota3A_76 = tpu.iota {dimensions = array<i32: 1>} : vector<256x128xi32>
    %eq3A_77 = arith.constant 0 : i32
    %eq3A_78 = vector.broadcast %eq3A_77 : i32 to vector<256x128xi32>
    %eq3A_79 = arith.cmpi eq, %iota3A_76, %eq3A_78 : vector<256x128xi32>
    %div3A_80 = arith.divf %broadcast_in_dim3A_51, %add3A_75 : vector<256x1xf32>
    %eq3A_81 = arith.constant 1 : i32
    %eq3A_82 = vector.broadcast %eq3A_81 : i32 to vector<256x128xi32>
    %eq3A_83 = arith.cmpi eq, %iota3A_76, %eq3A_82 : vector<256x128xi32>
    %div3A_84 = arith.divf %broadcast_in_dim3A_63, %add3A_75 : vector<256x1xf32>
    %jit3A_85 = arith.constant 0.000000e+00 : f32
    %broadcast_in_dim3A_86 = vector.shape_cast %div3A_84 : vector<256x1xf32> to vector<256x1xf32>
    %broadcast_in_dim3A_87 = vector.broadcast %broadcast_in_dim3A_86 : vector<256x1xf32> to vector<256x128xf32>
    %broadcast_in_dim3A_88 = vector.broadcast %jit3A_85 : f32 to vector<256x128xf32>
    %select_n3A_89 = arith.select %eq3A_83, %broadcast_in_dim3A_87, %broadcast_in_dim3A_88 : vector<256x128xi1>, vector<256x128xf32>
    %broadcast_in_dim3A_90 = vector.shape_cast %div3A_80 : vector<256x1xf32> to vector<256x1xf32>
    %broadcast_in_dim3A_91 = vector.broadcast %broadcast_in_dim3A_90 : vector<256x1xf32> to vector<256x128xf32>
    %select_n3A_92 = arith.select %eq3A_79, %broadcast_in_dim3A_91, %select_n3A_89 : vector<256x128xi1>, vector<256x128xf32>
    %swap3A_93 = arith.constant 0 : index
    %swap3A_94 = arith.constant 0 : index
    %swap3A_95 = vector.load %arg8[%swap3A_93, %swap3A_94] : memref<256x128xf32, #tpu.memory_space<vmem>>, vector<256x128xf32>
    tpu.vector_store %arg8[%swap3A_93, %swap3A_94], %select_n3A_92 {strides = array<i32>} : memref<256x128xf32, #tpu.memory_space<vmem>>, vector<256x128xf32>,
    %eq3A_96 = arith.constant 0 : i32
    %eq3A_97 = vector.broadcast %eq3A_96 : i32 to vector<256x128xi32>
    %eq3A_98 = arith.cmpi eq, %iota3A_76, %eq3A_97 : vector<256x128xi32>
    %eq3A_99 = arith.constant 1 : i32
    %eq3A_100 = vector.broadcast %eq3A_99 : i32 to vector<256x128xi32>
    %eq3A_101 = arith.cmpi eq, %iota3A_76, %eq3A_100 : vector<256x128xi32>
    %jit3A_102 = arith.constant 0 : i32
    %broadcast_in_dim3A_103 = vector.shape_cast %broadcast_in_dim3A_71 : vector<256x1xi32> to vector<256x1xi32>
    %broadcast_in_dim3A_104 = vector.broadcast %broadcast_in_dim3A_103 : vector<256x1xi32> to vector<256x128xi32>
    %broadcast_in_dim3A_105 = vector.broadcast %jit3A_102 : i32 to vector<256x128xi32>
    %select_n3A_106 = arith.select %eq3A_101, %broadcast_in_dim3A_104, %broadcast_in_dim3A_105 : vector<256x128xi1>, vector<256x128xi32>
    %broadcast_in_dim3A_107 = vector.shape_cast %broadcast_in_dim3A_55 : vector<256x1xi32> to vector<256x1xi32>
    %broadcast_in_dim3A_108 = vector.broadcast %broadcast_in_dim3A_107 : vector<256x1xi32> to vector<256x128xi32>
    %select_n3A_109 = arith.select %eq3A_98, %broadcast_in_dim3A_108, %select_n3A_106 : vector<256x128xi1>, vector<256x128xi32>
    %swap3A_110 = arith.constant 0 : index
    %swap3A_111 = arith.constant 0 : index
    %swap3A_112 = vector.load %arg9[%swap3A_110, %swap3A_111] : memref<256x128xi32, #tpu.memory_space<vmem>>, vector<256x128xi32>
    tpu.vector_store %arg9[%swap3A_110, %swap3A_111], %select_n3A_109 {strides = array<i32>} : memref<256x128xi32, #tpu.memory_space<vmem>>, vector<256x128xi32>,
    return
  }
  func.func @transform_0(%arg0: i32) -> (i32, i32) {
    %c0_i32 = arith.constant 0 : i32
    %c0_i32_0 = arith.constant 0 : i32
    return %arg0, %c0_i32 : i32, i32
  }
  func.func @transform_1(%arg0: i32) -> (i32, i32) {
    %c0_i32 = arith.constant 0 : i32
    %c0_i32_0 = arith.constant 0 : i32
    return %arg0, %c0_i32 : i32, i32
  }
  func.func @transform_2(%arg0: i32) -> (i32, i32) {
    %c0_i32 = arith.constant 0 : i32
    %c0_i32_0 = arith.constant 0 : i32
    return %arg0, %c0_i32 : i32, i32
  }
  func.func @transform_3(%arg0: i32) -> (i32, i32) {
    %c0_i32 = arith.constant 0 : i32
    %c0_i32_0 = arith.constant 0 : i32
    %c0_i32_1 = arith.constant 0 : i32
    return %c0_i32, %c0_i32_0 : i32, i32
  }
  func.func @transform_4(%arg0: i32) -> (i32, i32) {
    %c0_i32 = arith.constant 0 : i32
    %c0_i32_0 = arith.constant 0 : i32
    %c0_i32_1 = arith.constant 0 : i32
    return %c0_i32, %c0_i32_0 : i32, i32
  }
  func.func @transform_5(%arg0: i32) -> (i32, i32) {
    %c0_i32 = arith.constant 0 : i32
    %c0_i32_0 = arith.constant 0 : i32
    return %arg0, %c0_i32 : i32, i32
  }
  func.func @transform_6(%arg0: i32) -> (i32, i32) {
    %c0_i32 = arith.constant 0 : i32
    %c0_i32_0 = arith.constant 0 : i32
    return %arg0, %c0_i32 : i32, i32
  }
  func.func @transform_7(%arg0: i32) -> (i32, i32) {
    %c0_i32 = arith.constant 0 : i32
    %c0_i32_0 = arith.constant 0 : i32
    return %arg0, %c0_i32 : i32, i32
  }
  func.func @transform_8(%arg0: i32) -> (i32, i32) {
    %c0_i32 = arith.constant 0 : i32
    %c0_i32_0 = arith.constant 0 : i32
    return %arg0, %c0_i32 : i32, i32
  }
}

module attributes {stable_mosaic.version = 14 : i64} {
  func.func @_attn_kernel(%arg0: i32, %arg1: i32, %arg2: memref<256x128xbf16, #tpu.memory_space<vmem>>, %arg3: memref<2048x128xbf16, #tpu.memory_space<vmem>>, %arg4: memref<2048x128xbf16, #tpu.memory_space<vmem>>, %arg5: memref<256x128xbf16, #tpu.memory_space<vmem>>, %arg6: memref<256x128xf32, #tpu.memory_space<vmem>>, %arg7: memref<256x128xf32, #tpu.memory_space<vmem>>) attributes {dimension_semantics = [#tpu.dimension_semantics<arbitrary>, #tpu.dimension_semantics<arbitrary>], iteration_bounds = array<i64: 6, 8>, scalar_prefetch = 0 : i64, scratch_operands = 2 : i64, tpu.core_type = #tpu.core_type<tc>, window_params = [{transform_indices = @transform_0, window_bounds = array<i64: 256, 128>}, {transform_indices = @transform_1, window_bounds = array<i64: 2048, 128>}, {transform_indices = @transform_2, window_bounds = array<i64: 2048, 128>}, {transform_indices = @transform_3, window_bounds = array<i64: 256, 128>}]} {
    %iota3A = tpu.iota {dimensions = array<i32: 0>} : vector<256x256xi32>
    %iota3A_0 = tpu.iota {dimensions = array<i32: 1>} : vector<256x256xi32>
    %broadcast_in_dim3A = arith.constant 0.000000e+00 : f32
    %broadcast_in_dim3A_1 = vector.broadcast %broadcast_in_dim3A : f32 to vector<256x128xf32>
    %swap3A = arith.constant 0 : index
    %swap3A_2 = arith.constant 0 : index
    %swap3A_3 = vector.load %arg6[%swap3A, %swap3A_2] : memref<256x128xf32, #tpu.memory_space<vmem>>, vector<256x128xf32>
    tpu.vector_store %arg6[%swap3A, %swap3A_2], %broadcast_in_dim3A_1 {strides = array<i32>} : memref<256x128xf32, #tpu.memory_space<vmem>>, vector<256x128xf32>,
    %broadcast_in_dim3A_4 = arith.constant 0.000000e+00 : f32
    %broadcast_in_dim3A_5 = vector.broadcast %broadcast_in_dim3A_4 : f32 to vector<256x128xf32>
    %swap3A_6 = arith.constant 0 : index
    %swap3A_7 = arith.constant 0 : index
    %swap3A_8 = vector.load %arg7[%swap3A_6, %swap3A_7] : memref<256x128xf32, #tpu.memory_space<vmem>>, vector<256x128xf32>
    tpu.vector_store %arg7[%swap3A_6, %swap3A_7], %broadcast_in_dim3A_5 {strides = array<i32>} : memref<256x128xf32, #tpu.memory_space<vmem>>, vector<256x128xf32>,
    %get3A = arith.constant 0 : index
    %get3A_9 = arith.constant 0 : index
    %get3A_10 = vector.load %arg2[%get3A, %get3A_9] : memref<256x128xbf16, #tpu.memory_space<vmem>>, vector<256x64xbf16>
    %mul3A = arith.constant 1.250000e-01 : bf16
    %mul3A_11 = vector.broadcast %mul3A : bf16 to vector<256x64xbf16>
    %mul3A_12 = arith.mulf %get3A_10, %mul3A_11 : vector<256x64xbf16>
    %get3A_13 = arith.constant 0 : index
    %get3A_14 = arith.constant 64 : index
    %get3A_15 = vector.load %arg2[%get3A_13, %get3A_14] : memref<256x128xbf16, #tpu.memory_space<vmem>>, vector<256x64xbf16>
    %mul3A_16 = arith.constant 1.250000e-01 : bf16
    %mul3A_17 = vector.broadcast %mul3A_16 : bf16 to vector<256x64xbf16>
    %mul3A_18 = arith.mulf %get3A_15, %mul3A_17 : vector<256x64xbf16>
    %while3A = arith.constant 0 : i32
    %while3A_19 = arith.constant 0 : i32
    %while3A_20 = arith.subi %arg1, %while3A : i32
    %while3A_21 = arith.addi %while3A, %while3A_20 : i32
    %while3A_22 = arith.constant 1 : i32
    %while3A_23 = arith.divsi %while3A_20, %while3A_22 : i32
    %while3A_24 = arith.muli %while3A_23, %while3A_22 : i32
    %while3A_25 = arith.addi %while3A, %while3A_24 : i32
    %while3A_26 = arith.constant 1 : i32
    %while3A_27 = scf.for %while3A_112 = %while3A to %while3A_25 step %while3A_26 iter_args(%while3A_113 = %while3A_19) -> (i32)  : i32 {
      %mul3A_114 = arith.constant 256 : i32
      %mul3A_115 = arith.muli %while3A_112, %mul3A_114 : i32
      %get3A_116 = arith.index_cast %mul3A_115 : i32 to index
      %get3A_117 = arith.constant 0 : index
      %get3A_118 = vector.load %arg3[%get3A_116, %get3A_117] : memref<2048x128xbf16, #tpu.memory_space<vmem>>, vector<256x64xbf16>
      %dot_general3A_119 = arith.constant dense<0.000000e+00> : vector<256x256xf32>
      %dot_general3A_120 = tpu.matmul %mul3A_12, %get3A_118, %dot_general3A_119 {dimension_numbers = #tpu.dot_dimension_numbers<[1], [1], [0], [0], [0, 0, 1, 0], [], []>, transpose_lhs_hint = false} : vector<256x64xbf16>, vector<256x64xbf16>, vector<256x256xf32> -> vector<256x256xf32>
      %sub3A_121 = arith.constant 8.000000e+00 : f32
      %sub3A_122 = vector.broadcast %sub3A_121 : f32 to vector<256x256xf32>
      %sub3A_123 = arith.subf %dot_general3A_120, %sub3A_122 : vector<256x256xf32>
      %exp3A_124 = math.exp %sub3A_123 : vector<256x256xf32>
      %reduce_sum3A_125 = arith.constant dense<0.000000e+00> : vector<256xf32>
      %reduce_sum3A_126 = vector.multi_reduction <add>, %exp3A_124, %reduce_sum3A_125 [1] : vector<256x256xf32> to vector<256xf32>
      %broadcast_in_dim3A_127 = vector.shape_cast %reduce_sum3A_126 : vector<256xf32> to vector<256x1xf32>
      %mul3A_128 = arith.constant 256 : i32
      %mul3A_129 = arith.muli %while3A_112, %mul3A_128 : i32
      %get3A_130 = arith.index_cast %mul3A_129 : i32 to index
      %get3A_131 = arith.constant 0 : index
      %get3A_132 = vector.load %arg4[%get3A_130, %get3A_131] : memref<2048x128xbf16, #tpu.memory_space<vmem>>, vector<256x64xbf16>
      %convert_element_type3A_133 = arith.truncf %exp3A_124 : vector<256x256xf32> to vector<256x256xbf16>
      %dot_general3A_134 = arith.constant dense<0.000000e+00> : vector<256x64xf32>
      %dot_general3A_135 = tpu.matmul %convert_element_type3A_133, %get3A_132, %dot_general3A_134 {dimension_numbers = #tpu.dot_dimension_numbers<[1], [0], [0], [1], [0, 0, 1, 1], [], []>, transpose_lhs_hint = false} : vector<256x256xbf16>, vector<256x64xbf16>, vector<256x64xf32> -> vector<256x64xf32>
      %mul3A_136 = arith.constant 256 : i32
      %mul3A_137 = arith.muli %while3A_112, %mul3A_136 : i32
      %get3A_138 = arith.index_cast %mul3A_137 : i32 to index
      %get3A_139 = arith.constant 64 : index
      %get3A_140 = vector.load %arg3[%get3A_138, %get3A_139] : memref<2048x128xbf16, #tpu.memory_space<vmem>>, vector<256x64xbf16>
      %dot_general3A_141 = arith.constant dense<0.000000e+00> : vector<256x256xf32>
      %dot_general3A_142 = tpu.matmul %mul3A_18, %get3A_140, %dot_general3A_141 {dimension_numbers = #tpu.dot_dimension_numbers<[1], [1], [0], [0], [0, 0, 1, 0], [], []>, transpose_lhs_hint = false} : vector<256x64xbf16>, vector<256x64xbf16>, vector<256x256xf32> -> vector<256x256xf32>
      %sub3A_143 = arith.constant 8.000000e+00 : f32
      %sub3A_144 = vector.broadcast %sub3A_143 : f32 to vector<256x256xf32>
      %sub3A_145 = arith.subf %dot_general3A_142, %sub3A_144 : vector<256x256xf32>
      %exp3A_146 = math.exp %sub3A_145 : vector<256x256xf32>
      %reduce_sum3A_147 = arith.constant dense<0.000000e+00> : vector<256xf32>
      %reduce_sum3A_148 = vector.multi_reduction <add>, %exp3A_146, %reduce_sum3A_147 [1] : vector<256x256xf32> to vector<256xf32>
      %broadcast_in_dim3A_149 = vector.shape_cast %reduce_sum3A_148 : vector<256xf32> to vector<256x1xf32>
      %mul3A_150 = arith.constant 256 : i32
      %mul3A_151 = arith.muli %while3A_112, %mul3A_150 : i32
      %get3A_152 = arith.index_cast %mul3A_151 : i32 to index
      %get3A_153 = arith.constant 64 : index
      %get3A_154 = vector.load %arg4[%get3A_152, %get3A_153] : memref<2048x128xbf16, #tpu.memory_space<vmem>>, vector<256x64xbf16>
      %convert_element_type3A_155 = arith.truncf %exp3A_146 : vector<256x256xf32> to vector<256x256xbf16>
      %dot_general3A_156 = arith.constant dense<0.000000e+00> : vector<256x64xf32>
      %dot_general3A_157 = tpu.matmul %convert_element_type3A_155, %get3A_154, %dot_general3A_156 {dimension_numbers = #tpu.dot_dimension_numbers<[1], [0], [0], [1], [0, 0, 1, 1], [], []>, transpose_lhs_hint = false} : vector<256x256xbf16>, vector<256x64xbf16>, vector<256x64xf32> -> vector<256x64xf32>
      %get3A_158 = arith.constant 0 : index
      %get3A_159 = arith.constant 0 : index
      %get3A_160 = vector.load %arg6[%get3A_158, %get3A_159] : memref<256x128xf32, #tpu.memory_space<vmem>>, vector<256x1xf32>
      %add3A_161 = arith.addf %get3A_160, %broadcast_in_dim3A_127 : vector<256x1xf32>
      %swap3A_162 = arith.constant 0 : index
      %swap3A_163 = arith.constant 0 : index
      %swap3A_164 = vector.load %arg6[%swap3A_162, %swap3A_163] : memref<256x128xf32, #tpu.memory_space<vmem>>, vector<256x1xf32>
      tpu.vector_store %arg6[%swap3A_162, %swap3A_163], %add3A_161 {strides = array<i32>} : memref<256x128xf32, #tpu.memory_space<vmem>>, vector<256x1xf32>,
      %get3A_165 = arith.constant 0 : index
      %get3A_166 = arith.constant 64 : index
      %get3A_167 = vector.load %arg6[%get3A_165, %get3A_166] : memref<256x128xf32, #tpu.memory_space<vmem>>, vector<256x1xf32>
      %add3A_168 = arith.addf %get3A_167, %broadcast_in_dim3A_149 : vector<256x1xf32>
      %swap3A_169 = arith.constant 0 : index
      %swap3A_170 = arith.constant 64 : index
      %swap3A_171 = vector.load %arg6[%swap3A_169, %swap3A_170] : memref<256x128xf32, #tpu.memory_space<vmem>>, vector<256x1xf32>
      tpu.vector_store %arg6[%swap3A_169, %swap3A_170], %add3A_168 {strides = array<i32>} : memref<256x128xf32, #tpu.memory_space<vmem>>, vector<256x1xf32>,
      %get3A_172 = arith.constant 0 : index
      %get3A_173 = arith.constant 0 : index
      %get3A_174 = vector.load %arg7[%get3A_172, %get3A_173] : memref<256x128xf32, #tpu.memory_space<vmem>>, vector<256x128xf32>
      %concatenate3A_175 = tpu.concatenate %dot_general3A_135, %dot_general3A_157 in 1 : vector<256x64xf32>, vector<256x64xf32> -> vector<256x128xf32>
      %add3A_176 = arith.addf %get3A_174, %concatenate3A_175 : vector<256x128xf32>
      %swap3A_177 = arith.constant 0 : index
      %swap3A_178 = arith.constant 0 : index
      %swap3A_179 = vector.load %arg7[%swap3A_177, %swap3A_178] : memref<256x128xf32, #tpu.memory_space<vmem>>, vector<256x128xf32>
      tpu.vector_store %arg7[%swap3A_177, %swap3A_178], %add3A_176 {strides = array<i32>} : memref<256x128xf32, #tpu.memory_space<vmem>>, vector<256x128xf32>,
      %while3A_180 = arith.constant 0 : i32
      scf.yield %while3A_180 : i32
    }
    %while3A_28 = arith.constant 1 : i32
    %while3A_29 = scf.for %while3A_112 = %while3A_25 to %while3A_21 step %while3A_28 iter_args(%while3A_113 = %while3A_27) -> (i32)  : i32 {
      %mul3A_114 = arith.constant 256 : i32
      %mul3A_115 = arith.muli %while3A_112, %mul3A_114 : i32
      %get3A_116 = arith.index_cast %mul3A_115 : i32 to index
      %get3A_117 = arith.constant 0 : index
      %get3A_118 = vector.load %arg3[%get3A_116, %get3A_117] : memref<2048x128xbf16, #tpu.memory_space<vmem>>, vector<256x64xbf16>
      %dot_general3A_119 = arith.constant dense<0.000000e+00> : vector<256x256xf32>
      %dot_general3A_120 = tpu.matmul %mul3A_12, %get3A_118, %dot_general3A_119 {dimension_numbers = #tpu.dot_dimension_numbers<[1], [1], [0], [0], [0, 0, 1, 0], [], []>, transpose_lhs_hint = false} : vector<256x64xbf16>, vector<256x64xbf16>, vector<256x256xf32> -> vector<256x256xf32>
      %sub3A_121 = arith.constant 8.000000e+00 : f32
      %sub3A_122 = vector.broadcast %sub3A_121 : f32 to vector<256x256xf32>
      %sub3A_123 = arith.subf %dot_general3A_120, %sub3A_122 : vector<256x256xf32>
      %exp3A_124 = math.exp %sub3A_123 : vector<256x256xf32>
      %reduce_sum3A_125 = arith.constant dense<0.000000e+00> : vector<256xf32>
      %reduce_sum3A_126 = vector.multi_reduction <add>, %exp3A_124, %reduce_sum3A_125 [1] : vector<256x256xf32> to vector<256xf32>
      %broadcast_in_dim3A_127 = vector.shape_cast %reduce_sum3A_126 : vector<256xf32> to vector<256x1xf32>
      %mul3A_128 = arith.constant 256 : i32
      %mul3A_129 = arith.muli %while3A_112, %mul3A_128 : i32
      %get3A_130 = arith.index_cast %mul3A_129 : i32 to index
      %get3A_131 = arith.constant 0 : index
      %get3A_132 = vector.load %arg4[%get3A_130, %get3A_131] : memref<2048x128xbf16, #tpu.memory_space<vmem>>, vector<256x64xbf16>
      %convert_element_type3A_133 = arith.truncf %exp3A_124 : vector<256x256xf32> to vector<256x256xbf16>
      %dot_general3A_134 = arith.constant dense<0.000000e+00> : vector<256x64xf32>
      %dot_general3A_135 = tpu.matmul %convert_element_type3A_133, %get3A_132, %dot_general3A_134 {dimension_numbers = #tpu.dot_dimension_numbers<[1], [0], [0], [1], [0, 0, 1, 1], [], []>, transpose_lhs_hint = false} : vector<256x256xbf16>, vector<256x64xbf16>, vector<256x64xf32> -> vector<256x64xf32>
      %mul3A_136 = arith.constant 256 : i32
      %mul3A_137 = arith.muli %while3A_112, %mul3A_136 : i32
      %get3A_138 = arith.index_cast %mul3A_137 : i32 to index
      %get3A_139 = arith.constant 64 : index
      %get3A_140 = vector.load %arg3[%get3A_138, %get3A_139] : memref<2048x128xbf16, #tpu.memory_space<vmem>>, vector<256x64xbf16>
      %dot_general3A_141 = arith.constant dense<0.000000e+00> : vector<256x256xf32>
      %dot_general3A_142 = tpu.matmul %mul3A_18, %get3A_140, %dot_general3A_141 {dimension_numbers = #tpu.dot_dimension_numbers<[1], [1], [0], [0], [0, 0, 1, 0], [], []>, transpose_lhs_hint = false} : vector<256x64xbf16>, vector<256x64xbf16>, vector<256x256xf32> -> vector<256x256xf32>
      %sub3A_143 = arith.constant 8.000000e+00 : f32
      %sub3A_144 = vector.broadcast %sub3A_143 : f32 to vector<256x256xf32>
      %sub3A_145 = arith.subf %dot_general3A_142, %sub3A_144 : vector<256x256xf32>
      %exp3A_146 = math.exp %sub3A_145 : vector<256x256xf32>
      %reduce_sum3A_147 = arith.constant dense<0.000000e+00> : vector<256xf32>
      %reduce_sum3A_148 = vector.multi_reduction <add>, %exp3A_146, %reduce_sum3A_147 [1] : vector<256x256xf32> to vector<256xf32>
      %broadcast_in_dim3A_149 = vector.shape_cast %reduce_sum3A_148 : vector<256xf32> to vector<256x1xf32>
      %mul3A_150 = arith.constant 256 : i32
      %mul3A_151 = arith.muli %while3A_112, %mul3A_150 : i32
      %get3A_152 = arith.index_cast %mul3A_151 : i32 to index
      %get3A_153 = arith.constant 64 : index
      %get3A_154 = vector.load %arg4[%get3A_152, %get3A_153] : memref<2048x128xbf16, #tpu.memory_space<vmem>>, vector<256x64xbf16>
      %convert_element_type3A_155 = arith.truncf %exp3A_146 : vector<256x256xf32> to vector<256x256xbf16>
      %dot_general3A_156 = arith.constant dense<0.000000e+00> : vector<256x64xf32>
      %dot_general3A_157 = tpu.matmul %convert_element_type3A_155, %get3A_154, %dot_general3A_156 {dimension_numbers = #tpu.dot_dimension_numbers<[1], [0], [0], [1], [0, 0, 1, 1], [], []>, transpose_lhs_hint = false} : vector<256x256xbf16>, vector<256x64xbf16>, vector<256x64xf32> -> vector<256x64xf32>
      %get3A_158 = arith.constant 0 : index
      %get3A_159 = arith.constant 0 : index
      %get3A_160 = vector.load %arg6[%get3A_158, %get3A_159] : memref<256x128xf32, #tpu.memory_space<vmem>>, vector<256x1xf32>
      %add3A_161 = arith.addf %get3A_160, %broadcast_in_dim3A_127 : vector<256x1xf32>
      %swap3A_162 = arith.constant 0 : index
      %swap3A_163 = arith.constant 0 : index
      %swap3A_164 = vector.load %arg6[%swap3A_162, %swap3A_163] : memref<256x128xf32, #tpu.memory_space<vmem>>, vector<256x1xf32>
      tpu.vector_store %arg6[%swap3A_162, %swap3A_163], %add3A_161 {strides = array<i32>} : memref<256x128xf32, #tpu.memory_space<vmem>>, vector<256x1xf32>,
      %get3A_165 = arith.constant 0 : index
      %get3A_166 = arith.constant 64 : index
      %get3A_167 = vector.load %arg6[%get3A_165, %get3A_166] : memref<256x128xf32, #tpu.memory_space<vmem>>, vector<256x1xf32>
      %add3A_168 = arith.addf %get3A_167, %broadcast_in_dim3A_149 : vector<256x1xf32>
      %swap3A_169 = arith.constant 0 : index
      %swap3A_170 = arith.constant 64 : index
      %swap3A_171 = vector.load %arg6[%swap3A_169, %swap3A_170] : memref<256x128xf32, #tpu.memory_space<vmem>>, vector<256x1xf32>
      tpu.vector_store %arg6[%swap3A_169, %swap3A_170], %add3A_168 {strides = array<i32>} : memref<256x128xf32, #tpu.memory_space<vmem>>, vector<256x1xf32>,
      %get3A_172 = arith.constant 0 : index
      %get3A_173 = arith.constant 0 : index
      %get3A_174 = vector.load %arg7[%get3A_172, %get3A_173] : memref<256x128xf32, #tpu.memory_space<vmem>>, vector<256x128xf32>
      %concatenate3A_175 = tpu.concatenate %dot_general3A_135, %dot_general3A_157 in 1 : vector<256x64xf32>, vector<256x64xf32> -> vector<256x128xf32>
      %add3A_176 = arith.addf %get3A_174, %concatenate3A_175 : vector<256x128xf32>
      %swap3A_177 = arith.constant 0 : index
      %swap3A_178 = arith.constant 0 : index
      %swap3A_179 = vector.load %arg7[%swap3A_177, %swap3A_178] : memref<256x128xf32, #tpu.memory_space<vmem>>, vector<256x128xf32>
      tpu.vector_store %arg7[%swap3A_177, %swap3A_178], %add3A_176 {strides = array<i32>} : memref<256x128xf32, #tpu.memory_space<vmem>>, vector<256x128xf32>,
      %while3A_180 = arith.constant 0 : i32
      scf.yield %while3A_180 : i32
    }
    %mul3A_30 = arith.constant 256 : i32
    %mul3A_31 = arith.muli %arg1, %mul3A_30 : i32
    %get3A_32 = arith.index_cast %mul3A_31 : i32 to index
    %get3A_33 = arith.constant 0 : index
    %get3A_34 = vector.load %arg3[%get3A_32, %get3A_33] : memref<2048x128xbf16, #tpu.memory_space<vmem>>, vector<256x64xbf16>
    %dot_general3A = arith.constant dense<0.000000e+00> : vector<256x256xf32>
    %dot_general3A_35 = tpu.matmul %mul3A_12, %get3A_34, %dot_general3A {dimension_numbers = #tpu.dot_dimension_numbers<[1], [1], [0], [0], [0, 0, 1, 0], [], []>, transpose_lhs_hint = false} : vector<256x64xbf16>, vector<256x64xbf16>, vector<256x256xf32> -> vector<256x256xf32>
    %sub3A = arith.constant 8.000000e+00 : f32
    %sub3A_36 = vector.broadcast %sub3A : f32 to vector<256x256xf32>
    %sub3A_37 = arith.subf %dot_general3A_35, %sub3A_36 : vector<256x256xf32>
    %exp3A = math.exp %sub3A_37 : vector<256x256xf32>
    %ge3A = arith.cmpi sge, %iota3A, %iota3A_0 : vector<256x256xi32>
    %jit3A = arith.constant 0.000000e+00 : f32
    %broadcast_in_dim3A_38 = vector.broadcast %jit3A : f32 to vector<256x256xf32>
    %select_n3A = arith.select %ge3A, %exp3A, %broadcast_in_dim3A_38 : vector<256x256xi1>, vector<256x256xf32>
    %reduce_sum3A = arith.constant dense<0.000000e+00> : vector<256xf32>
    %reduce_sum3A_39 = vector.multi_reduction <add>, %select_n3A, %reduce_sum3A [1] : vector<256x256xf32> to vector<256xf32>
    %broadcast_in_dim3A_40 = vector.shape_cast %reduce_sum3A_39 : vector<256xf32> to vector<256x1xf32>
    %mul3A_41 = arith.constant 256 : i32
    %mul3A_42 = arith.muli %arg1, %mul3A_41 : i32
    %get3A_43 = arith.index_cast %mul3A_42 : i32 to index
    %get3A_44 = arith.constant 0 : index
    %get3A_45 = vector.load %arg4[%get3A_43, %get3A_44] : memref<2048x128xbf16, #tpu.memory_space<vmem>>, vector<256x64xbf16>
    %convert_element_type3A = arith.truncf %select_n3A : vector<256x256xf32> to vector<256x256xbf16>
    %dot_general3A_46 = arith.constant dense<0.000000e+00> : vector<256x64xf32>
    %dot_general3A_47 = tpu.matmul %convert_element_type3A, %get3A_45, %dot_general3A_46 {dimension_numbers = #tpu.dot_dimension_numbers<[1], [0], [0], [1], [0, 0, 1, 1], [], []>, transpose_lhs_hint = false} : vector<256x256xbf16>, vector<256x64xbf16>, vector<256x64xf32> -> vector<256x64xf32>
    %mul3A_48 = arith.constant 256 : i32
    %mul3A_49 = arith.muli %arg1, %mul3A_48 : i32
    %get3A_50 = arith.index_cast %mul3A_49 : i32 to index
    %get3A_51 = arith.constant 64 : index
    %get3A_52 = vector.load %arg3[%get3A_50, %get3A_51] : memref<2048x128xbf16, #tpu.memory_space<vmem>>, vector<256x64xbf16>
    %dot_general3A_53 = arith.constant dense<0.000000e+00> : vector<256x256xf32>
    %dot_general3A_54 = tpu.matmul %mul3A_18, %get3A_52, %dot_general3A_53 {dimension_numbers = #tpu.dot_dimension_numbers<[1], [1], [0], [0], [0, 0, 1, 0], [], []>, transpose_lhs_hint = false} : vector<256x64xbf16>, vector<256x64xbf16>, vector<256x256xf32> -> vector<256x256xf32>
    %sub3A_55 = arith.constant 8.000000e+00 : f32
    %sub3A_56 = vector.broadcast %sub3A_55 : f32 to vector<256x256xf32>
    %sub3A_57 = arith.subf %dot_general3A_54, %sub3A_56 : vector<256x256xf32>
    %exp3A_58 = math.exp %sub3A_57 : vector<256x256xf32>
    %ge3A_59 = arith.cmpi sge, %iota3A, %iota3A_0 : vector<256x256xi32>
    %jit3A_60 = arith.constant 0.000000e+00 : f32
    %broadcast_in_dim3A_61 = vector.broadcast %jit3A_60 : f32 to vector<256x256xf32>
    %select_n3A_62 = arith.select %ge3A_59, %exp3A_58, %broadcast_in_dim3A_61 : vector<256x256xi1>, vector<256x256xf32>
    %reduce_sum3A_63 = arith.constant dense<0.000000e+00> : vector<256xf32>
    %reduce_sum3A_64 = vector.multi_reduction <add>, %select_n3A_62, %reduce_sum3A_63 [1] : vector<256x256xf32> to vector<256xf32>
    %broadcast_in_dim3A_65 = vector.shape_cast %reduce_sum3A_64 : vector<256xf32> to vector<256x1xf32>
    %mul3A_66 = arith.constant 256 : i32
    %mul3A_67 = arith.muli %arg1, %mul3A_66 : i32
    %get3A_68 = arith.index_cast %mul3A_67 : i32 to index
    %get3A_69 = arith.constant 64 : index
    %get3A_70 = vector.load %arg4[%get3A_68, %get3A_69] : memref<2048x128xbf16, #tpu.memory_space<vmem>>, vector<256x64xbf16>
    %convert_element_type3A_71 = arith.truncf %select_n3A_62 : vector<256x256xf32> to vector<256x256xbf16>
    %dot_general3A_72 = arith.constant dense<0.000000e+00> : vector<256x64xf32>
    %dot_general3A_73 = tpu.matmul %convert_element_type3A_71, %get3A_70, %dot_general3A_72 {dimension_numbers = #tpu.dot_dimension_numbers<[1], [0], [0], [1], [0, 0, 1, 1], [], []>, transpose_lhs_hint = false} : vector<256x256xbf16>, vector<256x64xbf16>, vector<256x64xf32> -> vector<256x64xf32>
    %get3A_74 = arith.constant 0 : index
    %get3A_75 = arith.constant 0 : index
    %get3A_76 = vector.load %arg6[%get3A_74, %get3A_75] : memref<256x128xf32, #tpu.memory_space<vmem>>, vector<256x1xf32>
    %add3A = arith.addf %get3A_76, %broadcast_in_dim3A_40 : vector<256x1xf32>
    %swap3A_77 = arith.constant 0 : index
    %swap3A_78 = arith.constant 0 : index
    %swap3A_79 = vector.load %arg6[%swap3A_77, %swap3A_78] : memref<256x128xf32, #tpu.memory_space<vmem>>, vector<256x1xf32>
    tpu.vector_store %arg6[%swap3A_77, %swap3A_78], %add3A {strides = array<i32>} : memref<256x128xf32, #tpu.memory_space<vmem>>, vector<256x1xf32>,
    %get3A_80 = arith.constant 0 : index
    %get3A_81 = arith.constant 64 : index
    %get3A_82 = vector.load %arg6[%get3A_80, %get3A_81] : memref<256x128xf32, #tpu.memory_space<vmem>>, vector<256x1xf32>
    %add3A_83 = arith.addf %get3A_82, %broadcast_in_dim3A_65 : vector<256x1xf32>
    %swap3A_84 = arith.constant 0 : index
    %swap3A_85 = arith.constant 64 : index
    %swap3A_86 = vector.load %arg6[%swap3A_84, %swap3A_85] : memref<256x128xf32, #tpu.memory_space<vmem>>, vector<256x1xf32>
    tpu.vector_store %arg6[%swap3A_84, %swap3A_85], %add3A_83 {strides = array<i32>} : memref<256x128xf32, #tpu.memory_space<vmem>>, vector<256x1xf32>,
    %get3A_87 = arith.constant 0 : index
    %get3A_88 = arith.constant 0 : index
    %get3A_89 = vector.load %arg7[%get3A_87, %get3A_88] : memref<256x128xf32, #tpu.memory_space<vmem>>, vector<256x128xf32>
    %concatenate3A = tpu.concatenate %dot_general3A_47, %dot_general3A_73 in 1 : vector<256x64xf32>, vector<256x64xf32> -> vector<256x128xf32>
    %add3A_90 = arith.addf %get3A_89, %concatenate3A : vector<256x128xf32>
    %swap3A_91 = arith.constant 0 : index
    %swap3A_92 = arith.constant 0 : index
    %swap3A_93 = vector.load %arg7[%swap3A_91, %swap3A_92] : memref<256x128xf32, #tpu.memory_space<vmem>>, vector<256x128xf32>
    tpu.vector_store %arg7[%swap3A_91, %swap3A_92], %add3A_90 {strides = array<i32>} : memref<256x128xf32, #tpu.memory_space<vmem>>, vector<256x128xf32>,
    %get3A_94 = arith.constant 0 : index
    %get3A_95 = arith.constant 0 : index
    %get3A_96 = vector.load %arg6[%get3A_94, %get3A_95] : memref<256x128xf32, #tpu.memory_space<vmem>>, vector<256x1xf32>
    %broadcast_in_dim3A_97 = vector.shape_cast %get3A_96 : vector<256x1xf32> to vector<256x1xf32>
    %broadcast_in_dim3A_98 = vector.broadcast %broadcast_in_dim3A_97 : vector<256x1xf32> to vector<256x64xf32>
    %get3A_99 = arith.constant 0 : index
    %get3A_100 = arith.constant 64 : index
    %get3A_101 = vector.load %arg6[%get3A_99, %get3A_100] : memref<256x128xf32, #tpu.memory_space<vmem>>, vector<256x1xf32>
    %broadcast_in_dim3A_102 = vector.shape_cast %get3A_101 : vector<256x1xf32> to vector<256x1xf32>
    %broadcast_in_dim3A_103 = vector.broadcast %broadcast_in_dim3A_102 : vector<256x1xf32> to vector<256x64xf32>
    %get3A_104 = arith.constant 0 : index
    %get3A_105 = arith.constant 0 : index
    %get3A_106 = vector.load %arg7[%get3A_104, %get3A_105] : memref<256x128xf32, #tpu.memory_space<vmem>>, vector<256x128xf32>
    %concatenate3A_107 = tpu.concatenate %broadcast_in_dim3A_98, %broadcast_in_dim3A_103 in 1 : vector<256x64xf32>, vector<256x64xf32> -> vector<256x128xf32>
    %div3A = arith.divf %get3A_106, %concatenate3A_107 : vector<256x128xf32>
    %convert_element_type3A_108 = arith.truncf %div3A : vector<256x128xf32> to vector<256x128xbf16>
    %swap3A_109 = arith.constant 0 : index
    %swap3A_110 = arith.constant 0 : index
    %swap3A_111 = vector.load %arg5[%swap3A_109, %swap3A_110] : memref<256x128xbf16, #tpu.memory_space<vmem>>, vector<256x128xbf16>
    tpu.vector_store %arg5[%swap3A_109, %swap3A_110], %convert_element_type3A_108 {strides = array<i32>} : memref<256x128xbf16, #tpu.memory_space<vmem>>, vector<256x128xbf16>,
    return
  }
  func.func @transform_0(%arg0: i32, %arg1: i32) -> (i32, i32) {
    %c0_i32 = arith.constant 0 : i32
    return %arg1, %arg0 : i32, i32
  }
  func.func @transform_1(%arg0: i32, %arg1: i32) -> (i32, i32) {
    %c0_i32 = arith.constant 0 : i32
    %c0_i32_0 = arith.constant 0 : i32
    return %c0_i32, %arg0 : i32, i32
  }
  func.func @transform_2(%arg0: i32, %arg1: i32) -> (i32, i32) {
    %c0_i32 = arith.constant 0 : i32
    %c0_i32_0 = arith.constant 0 : i32
    return %c0_i32, %arg0 : i32, i32
  }
  func.func @transform_3(%arg0: i32, %arg1: i32) -> (i32, i32) {
    %c0_i32 = arith.constant 0 : i32
    return %arg1, %arg0 : i32, i32
  }
}

module attributes {stable_mosaic.version = 14 : i64} {
  func.func @_sort_kernel(%arg0: i32, %arg1: memref<8x512xi32, #tpu.memory_space<vmem>>, %arg2: memref<512x512xf32, #tpu.memory_space<vmem>>, %arg3: memref<64x64xf32, #tpu.memory_space<vmem>>, %arg4: memref<8x512xi32, #tpu.memory_space<vmem>>, %arg5: memref<64x128xi32, #tpu.memory_space<vmem>>) attributes {dimension_semantics = [#tpu.dimension_semantics<arbitrary>], iteration_bounds = array<i64: 1>, scalar_prefetch = 0 : i64, scratch_operands = 0 : i64, tpu.core_type = #tpu.core_type<tc>, window_params = [{pipeline_mode = #tpu.pipeline_mode<synchronous>, transform_indices = @transform_0, window_bounds = array<i64: 8, 512>}, {pipeline_mode = #tpu.pipeline_mode<synchronous>, transform_indices = @transform_1, window_bounds = array<i64: 512, 512>}, {pipeline_mode = #tpu.pipeline_mode<synchronous>, transform_indices = @transform_2, window_bounds = array<i64: 64, 64>}, {pipeline_mode = #tpu.pipeline_mode<synchronous>, transform_indices = @transform_3, window_bounds = array<i64: 8, 512>}, {pipeline_mode = #tpu.pipeline_mode<synchronous>, transform_indices = @transform_4, window_bounds = array<i64: 64, 128>}]} {
    %get3A = arith.constant 0 : index
    %get3A_0 = arith.constant 0 : index
    %get3A_1 = vector.load %arg2[%get3A, %get3A_0] : memref<512x512xf32, #tpu.memory_space<vmem>>, vector<512x512xf32>
    %broadcast_in_dim3A = arith.constant 0.000000e+00 : f32
    %broadcast_in_dim3A_2 = vector.broadcast %broadcast_in_dim3A : f32 to vector<64x1xf32>
    %get3A_3 = arith.constant 0 : index
    %get3A_4 = arith.constant 0 : index
    %get3A_5 = vector.load %arg1[%get3A_3, %get3A_4] : memref<8x512xi32, #tpu.memory_space<vmem>>, vector<1x512xi32>
    %broadcast_in_dim3A_6 = vector.shape_cast %get3A_5 : vector<1x512xi32> to vector<1x512xi32>
    %broadcast_in_dim3A_7 = vector.broadcast %broadcast_in_dim3A_6 : vector<1x512xi32> to vector<64x512xi32>
    %iota3A = tpu.iota {dimensions = array<i32: 0>} : vector<64x512xi32>
    %eq3A = arith.cmpi eq, %broadcast_in_dim3A_7, %iota3A : vector<64x512xi32>
    %convert_element_type3A = arith.extui %eq3A : vector<64x512xi1> to vector<64x512xi32>
    %convert_element_type3A_8 = arith.sitofp %convert_element_type3A : vector<64x512xi32> to vector<64x512xf32>
    %dot_general3A = arith.constant dense<0.000000e+00> : vector<64x512xf32>
    %dot_general3A_9 = tpu.matmul %convert_element_type3A_8, %get3A_1, %dot_general3A {dimension_numbers = #tpu.dot_dimension_numbers<[1], [0], [0], [1], [0, 0, 1, 1], [], []>, transpose_lhs_hint = false} : vector<64x512xf32>, vector<512x512xf32>, vector<64x512xf32> -> vector<64x512xf32>
    %add3A = vector.broadcast %broadcast_in_dim3A_2 : vector<64x1xf32> to vector<64x512xf32>
    %add3A_10 = arith.addf %dot_general3A_9, %add3A : vector<64x512xf32>
    %mul3A = arith.mulf %convert_element_type3A_8, %add3A_10 : vector<64x512xf32>
    %reduce_sum3A = arith.constant dense<0.000000e+00> : vector<512xf32>
    %reduce_sum3A_11 = vector.multi_reduction <add>, %mul3A, %reduce_sum3A [0] : vector<64x512xf32> to vector<512xf32>
    %broadcast_in_dim3A_12 = vector.shape_cast %reduce_sum3A_11 : vector<512xf32> to vector<1x512xf32>
    %reduce_sum3A_13 = arith.constant dense<0.000000e+00> : vector<64xf32>
    %reduce_sum3A_14 = vector.multi_reduction <add>, %convert_element_type3A_8, %reduce_sum3A_13 [1] : vector<64x512xf32> to vector<64xf32>
    %broadcast_in_dim3A_15 = vector.shape_cast %reduce_sum3A_14 : vector<64xf32> to vector<64x1xf32>
    %add3A_16 = arith.addf %broadcast_in_dim3A_2, %broadcast_in_dim3A_15 : vector<64x1xf32>
    %get3A_17 = arith.constant 1 : index
    %get3A_18 = arith.constant 0 : index
    %get3A_19 = vector.load %arg1[%get3A_17, %get3A_18] : memref<8x512xi32, #tpu.memory_space<vmem>>, vector<1x512xi32>
    %broadcast_in_dim3A_20 = vector.shape_cast %get3A_19 : vector<1x512xi32> to vector<1x512xi32>
    %broadcast_in_dim3A_21 = vector.broadcast %broadcast_in_dim3A_20 : vector<1x512xi32> to vector<64x512xi32>
    %iota3A_22 = tpu.iota {dimensions = array<i32: 0>} : vector<64x512xi32>
    %eq3A_23 = arith.cmpi eq, %broadcast_in_dim3A_21, %iota3A_22 : vector<64x512xi32>
    %convert_element_type3A_24 = arith.extui %eq3A_23 : vector<64x512xi1> to vector<64x512xi32>
    %convert_element_type3A_25 = arith.sitofp %convert_element_type3A_24 : vector<64x512xi32> to vector<64x512xf32>
    %dot_general3A_26 = arith.constant dense<0.000000e+00> : vector<64x512xf32>
    %dot_general3A_27 = tpu.matmul %convert_element_type3A_25, %get3A_1, %dot_general3A_26 {dimension_numbers = #tpu.dot_dimension_numbers<[1], [0], [0], [1], [0, 0, 1, 1], [], []>, transpose_lhs_hint = false} : vector<64x512xf32>, vector<512x512xf32>, vector<64x512xf32> -> vector<64x512xf32>
    %add3A_28 = vector.broadcast %add3A_16 : vector<64x1xf32> to vector<64x512xf32>
    %add3A_29 = arith.addf %dot_general3A_27, %add3A_28 : vector<64x512xf32>
    %mul3A_30 = arith.mulf %convert_element_type3A_25, %add3A_29 : vector<64x512xf32>
    %reduce_sum3A_31 = arith.constant dense<0.000000e+00> : vector<512xf32>
    %reduce_sum3A_32 = vector.multi_reduction <add>, %mul3A_30, %reduce_sum3A_31 [0] : vector<64x512xf32> to vector<512xf32>
    %broadcast_in_dim3A_33 = vector.shape_cast %reduce_sum3A_32 : vector<512xf32> to vector<1x512xf32>
    %reduce_sum3A_34 = arith.constant dense<0.000000e+00> : vector<64xf32>
    %reduce_sum3A_35 = vector.multi_reduction <add>, %convert_element_type3A_25, %reduce_sum3A_34 [1] : vector<64x512xf32> to vector<64xf32>
    %broadcast_in_dim3A_36 = vector.shape_cast %reduce_sum3A_35 : vector<64xf32> to vector<64x1xf32>
    %add3A_37 = arith.addf %add3A_16, %broadcast_in_dim3A_36 : vector<64x1xf32>
    %get3A_38 = arith.constant 2 : index
    %get3A_39 = arith.constant 0 : index
    %get3A_40 = vector.load %arg1[%get3A_38, %get3A_39] : memref<8x512xi32, #tpu.memory_space<vmem>>, vector<1x512xi32>
    %broadcast_in_dim3A_41 = vector.shape_cast %get3A_40 : vector<1x512xi32> to vector<1x512xi32>
    %broadcast_in_dim3A_42 = vector.broadcast %broadcast_in_dim3A_41 : vector<1x512xi32> to vector<64x512xi32>
    %iota3A_43 = tpu.iota {dimensions = array<i32: 0>} : vector<64x512xi32>
    %eq3A_44 = arith.cmpi eq, %broadcast_in_dim3A_42, %iota3A_43 : vector<64x512xi32>
    %convert_element_type3A_45 = arith.extui %eq3A_44 : vector<64x512xi1> to vector<64x512xi32>
    %convert_element_type3A_46 = arith.sitofp %convert_element_type3A_45 : vector<64x512xi32> to vector<64x512xf32>
    %dot_general3A_47 = arith.constant dense<0.000000e+00> : vector<64x512xf32>
    %dot_general3A_48 = tpu.matmul %convert_element_type3A_46, %get3A_1, %dot_general3A_47 {dimension_numbers = #tpu.dot_dimension_numbers<[1], [0], [0], [1], [0, 0, 1, 1], [], []>, transpose_lhs_hint = false} : vector<64x512xf32>, vector<512x512xf32>, vector<64x512xf32> -> vector<64x512xf32>
    %add3A_49 = vector.broadcast %add3A_37 : vector<64x1xf32> to vector<64x512xf32>
    %add3A_50 = arith.addf %dot_general3A_48, %add3A_49 : vector<64x512xf32>
    %mul3A_51 = arith.mulf %convert_element_type3A_46, %add3A_50 : vector<64x512xf32>
    %reduce_sum3A_52 = arith.constant dense<0.000000e+00> : vector<512xf32>
    %reduce_sum3A_53 = vector.multi_reduction <add>, %mul3A_51, %reduce_sum3A_52 [0] : vector<64x512xf32> to vector<512xf32>
    %broadcast_in_dim3A_54 = vector.shape_cast %reduce_sum3A_53 : vector<512xf32> to vector<1x512xf32>
    %reduce_sum3A_55 = arith.constant dense<0.000000e+00> : vector<64xf32>
    %reduce_sum3A_56 = vector.multi_reduction <add>, %convert_element_type3A_46, %reduce_sum3A_55 [1] : vector<64x512xf32> to vector<64xf32>
    %broadcast_in_dim3A_57 = vector.shape_cast %reduce_sum3A_56 : vector<64xf32> to vector<64x1xf32>
    %add3A_58 = arith.addf %add3A_37, %broadcast_in_dim3A_57 : vector<64x1xf32>
    %get3A_59 = arith.constant 3 : index
    %get3A_60 = arith.constant 0 : index
    %get3A_61 = vector.load %arg1[%get3A_59, %get3A_60] : memref<8x512xi32, #tpu.memory_space<vmem>>, vector<1x512xi32>
    %broadcast_in_dim3A_62 = vector.shape_cast %get3A_61 : vector<1x512xi32> to vector<1x512xi32>
    %broadcast_in_dim3A_63 = vector.broadcast %broadcast_in_dim3A_62 : vector<1x512xi32> to vector<64x512xi32>
    %iota3A_64 = tpu.iota {dimensions = array<i32: 0>} : vector<64x512xi32>
    %eq3A_65 = arith.cmpi eq, %broadcast_in_dim3A_63, %iota3A_64 : vector<64x512xi32>
    %convert_element_type3A_66 = arith.extui %eq3A_65 : vector<64x512xi1> to vector<64x512xi32>
    %convert_element_type3A_67 = arith.sitofp %convert_element_type3A_66 : vector<64x512xi32> to vector<64x512xf32>
    %dot_general3A_68 = arith.constant dense<0.000000e+00> : vector<64x512xf32>
    %dot_general3A_69 = tpu.matmul %convert_element_type3A_67, %get3A_1, %dot_general3A_68 {dimension_numbers = #tpu.dot_dimension_numbers<[1], [0], [0], [1], [0, 0, 1, 1], [], []>, transpose_lhs_hint = false} : vector<64x512xf32>, vector<512x512xf32>, vector<64x512xf32> -> vector<64x512xf32>
    %add3A_70 = vector.broadcast %add3A_58 : vector<64x1xf32> to vector<64x512xf32>
    %add3A_71 = arith.addf %dot_general3A_69, %add3A_70 : vector<64x512xf32>
    %mul3A_72 = arith.mulf %convert_element_type3A_67, %add3A_71 : vector<64x512xf32>
    %reduce_sum3A_73 = arith.constant dense<0.000000e+00> : vector<512xf32>
    %reduce_sum3A_74 = vector.multi_reduction <add>, %mul3A_72, %reduce_sum3A_73 [0] : vector<64x512xf32> to vector<512xf32>
    %broadcast_in_dim3A_75 = vector.shape_cast %reduce_sum3A_74 : vector<512xf32> to vector<1x512xf32>
    %reduce_sum3A_76 = arith.constant dense<0.000000e+00> : vector<64xf32>
    %reduce_sum3A_77 = vector.multi_reduction <add>, %convert_element_type3A_67, %reduce_sum3A_76 [1] : vector<64x512xf32> to vector<64xf32>
    %broadcast_in_dim3A_78 = vector.shape_cast %reduce_sum3A_77 : vector<64xf32> to vector<64x1xf32>
    %add3A_79 = arith.addf %add3A_58, %broadcast_in_dim3A_78 : vector<64x1xf32>
    %get3A_80 = arith.constant 4 : index
    %get3A_81 = arith.constant 0 : index
    %get3A_82 = vector.load %arg1[%get3A_80, %get3A_81] : memref<8x512xi32, #tpu.memory_space<vmem>>, vector<1x512xi32>
    %broadcast_in_dim3A_83 = vector.shape_cast %get3A_82 : vector<1x512xi32> to vector<1x512xi32>
    %broadcast_in_dim3A_84 = vector.broadcast %broadcast_in_dim3A_83 : vector<1x512xi32> to vector<64x512xi32>
    %iota3A_85 = tpu.iota {dimensions = array<i32: 0>} : vector<64x512xi32>
    %eq3A_86 = arith.cmpi eq, %broadcast_in_dim3A_84, %iota3A_85 : vector<64x512xi32>
    %convert_element_type3A_87 = arith.extui %eq3A_86 : vector<64x512xi1> to vector<64x512xi32>
    %convert_element_type3A_88 = arith.sitofp %convert_element_type3A_87 : vector<64x512xi32> to vector<64x512xf32>
    %dot_general3A_89 = arith.constant dense<0.000000e+00> : vector<64x512xf32>
    %dot_general3A_90 = tpu.matmul %convert_element_type3A_88, %get3A_1, %dot_general3A_89 {dimension_numbers = #tpu.dot_dimension_numbers<[1], [0], [0], [1], [0, 0, 1, 1], [], []>, transpose_lhs_hint = false} : vector<64x512xf32>, vector<512x512xf32>, vector<64x512xf32> -> vector<64x512xf32>
    %add3A_91 = vector.broadcast %add3A_79 : vector<64x1xf32> to vector<64x512xf32>
    %add3A_92 = arith.addf %dot_general3A_90, %add3A_91 : vector<64x512xf32>
    %mul3A_93 = arith.mulf %convert_element_type3A_88, %add3A_92 : vector<64x512xf32>
    %reduce_sum3A_94 = arith.constant dense<0.000000e+00> : vector<512xf32>
    %reduce_sum3A_95 = vector.multi_reduction <add>, %mul3A_93, %reduce_sum3A_94 [0] : vector<64x512xf32> to vector<512xf32>
    %broadcast_in_dim3A_96 = vector.shape_cast %reduce_sum3A_95 : vector<512xf32> to vector<1x512xf32>
    %reduce_sum3A_97 = arith.constant dense<0.000000e+00> : vector<64xf32>
    %reduce_sum3A_98 = vector.multi_reduction <add>, %convert_element_type3A_88, %reduce_sum3A_97 [1] : vector<64x512xf32> to vector<64xf32>
    %broadcast_in_dim3A_99 = vector.shape_cast %reduce_sum3A_98 : vector<64xf32> to vector<64x1xf32>
    %add3A_100 = arith.addf %add3A_79, %broadcast_in_dim3A_99 : vector<64x1xf32>
    %get3A_101 = arith.constant 5 : index
    %get3A_102 = arith.constant 0 : index
    %get3A_103 = vector.load %arg1[%get3A_101, %get3A_102] : memref<8x512xi32, #tpu.memory_space<vmem>>, vector<1x512xi32>
    %broadcast_in_dim3A_104 = vector.shape_cast %get3A_103 : vector<1x512xi32> to vector<1x512xi32>
    %broadcast_in_dim3A_105 = vector.broadcast %broadcast_in_dim3A_104 : vector<1x512xi32> to vector<64x512xi32>
    %iota3A_106 = tpu.iota {dimensions = array<i32: 0>} : vector<64x512xi32>
    %eq3A_107 = arith.cmpi eq, %broadcast_in_dim3A_105, %iota3A_106 : vector<64x512xi32>
    %convert_element_type3A_108 = arith.extui %eq3A_107 : vector<64x512xi1> to vector<64x512xi32>
    %convert_element_type3A_109 = arith.sitofp %convert_element_type3A_108 : vector<64x512xi32> to vector<64x512xf32>
    %dot_general3A_110 = arith.constant dense<0.000000e+00> : vector<64x512xf32>
    %dot_general3A_111 = tpu.matmul %convert_element_type3A_109, %get3A_1, %dot_general3A_110 {dimension_numbers = #tpu.dot_dimension_numbers<[1], [0], [0], [1], [0, 0, 1, 1], [], []>, transpose_lhs_hint = false} : vector<64x512xf32>, vector<512x512xf32>, vector<64x512xf32> -> vector<64x512xf32>
    %add3A_112 = vector.broadcast %add3A_100 : vector<64x1xf32> to vector<64x512xf32>
    %add3A_113 = arith.addf %dot_general3A_111, %add3A_112 : vector<64x512xf32>
    %mul3A_114 = arith.mulf %convert_element_type3A_109, %add3A_113 : vector<64x512xf32>
    %reduce_sum3A_115 = arith.constant dense<0.000000e+00> : vector<512xf32>
    %reduce_sum3A_116 = vector.multi_reduction <add>, %mul3A_114, %reduce_sum3A_115 [0] : vector<64x512xf32> to vector<512xf32>
    %broadcast_in_dim3A_117 = vector.shape_cast %reduce_sum3A_116 : vector<512xf32> to vector<1x512xf32>
    %reduce_sum3A_118 = arith.constant dense<0.000000e+00> : vector<64xf32>
    %reduce_sum3A_119 = vector.multi_reduction <add>, %convert_element_type3A_109, %reduce_sum3A_118 [1] : vector<64x512xf32> to vector<64xf32>
    %broadcast_in_dim3A_120 = vector.shape_cast %reduce_sum3A_119 : vector<64xf32> to vector<64x1xf32>
    %add3A_121 = arith.addf %add3A_100, %broadcast_in_dim3A_120 : vector<64x1xf32>
    %get3A_122 = arith.constant 6 : index
    %get3A_123 = arith.constant 0 : index
    %get3A_124 = vector.load %arg1[%get3A_122, %get3A_123] : memref<8x512xi32, #tpu.memory_space<vmem>>, vector<1x512xi32>
    %broadcast_in_dim3A_125 = vector.shape_cast %get3A_124 : vector<1x512xi32> to vector<1x512xi32>
    %broadcast_in_dim3A_126 = vector.broadcast %broadcast_in_dim3A_125 : vector<1x512xi32> to vector<64x512xi32>
    %iota3A_127 = tpu.iota {dimensions = array<i32: 0>} : vector<64x512xi32>
    %eq3A_128 = arith.cmpi eq, %broadcast_in_dim3A_126, %iota3A_127 : vector<64x512xi32>
    %convert_element_type3A_129 = arith.extui %eq3A_128 : vector<64x512xi1> to vector<64x512xi32>
    %convert_element_type3A_130 = arith.sitofp %convert_element_type3A_129 : vector<64x512xi32> to vector<64x512xf32>
    %dot_general3A_131 = arith.constant dense<0.000000e+00> : vector<64x512xf32>
    %dot_general3A_132 = tpu.matmul %convert_element_type3A_130, %get3A_1, %dot_general3A_131 {dimension_numbers = #tpu.dot_dimension_numbers<[1], [0], [0], [1], [0, 0, 1, 1], [], []>, transpose_lhs_hint = false} : vector<64x512xf32>, vector<512x512xf32>, vector<64x512xf32> -> vector<64x512xf32>
    %add3A_133 = vector.broadcast %add3A_121 : vector<64x1xf32> to vector<64x512xf32>
    %add3A_134 = arith.addf %dot_general3A_132, %add3A_133 : vector<64x512xf32>
    %mul3A_135 = arith.mulf %convert_element_type3A_130, %add3A_134 : vector<64x512xf32>
    %reduce_sum3A_136 = arith.constant dense<0.000000e+00> : vector<512xf32>
    %reduce_sum3A_137 = vector.multi_reduction <add>, %mul3A_135, %reduce_sum3A_136 [0] : vector<64x512xf32> to vector<512xf32>
    %broadcast_in_dim3A_138 = vector.shape_cast %reduce_sum3A_137 : vector<512xf32> to vector<1x512xf32>
    %reduce_sum3A_139 = arith.constant dense<0.000000e+00> : vector<64xf32>
    %reduce_sum3A_140 = vector.multi_reduction <add>, %convert_element_type3A_130, %reduce_sum3A_139 [1] : vector<64x512xf32> to vector<64xf32>
    %broadcast_in_dim3A_141 = vector.shape_cast %reduce_sum3A_140 : vector<64xf32> to vector<64x1xf32>
    %add3A_142 = arith.addf %add3A_121, %broadcast_in_dim3A_141 : vector<64x1xf32>
    %get3A_143 = arith.constant 7 : index
    %get3A_144 = arith.constant 0 : index
    %get3A_145 = vector.load %arg1[%get3A_143, %get3A_144] : memref<8x512xi32, #tpu.memory_space<vmem>>, vector<1x512xi32>
    %broadcast_in_dim3A_146 = vector.shape_cast %get3A_145 : vector<1x512xi32> to vector<1x512xi32>
    %broadcast_in_dim3A_147 = vector.broadcast %broadcast_in_dim3A_146 : vector<1x512xi32> to vector<64x512xi32>
    %iota3A_148 = tpu.iota {dimensions = array<i32: 0>} : vector<64x512xi32>
    %eq3A_149 = arith.cmpi eq, %broadcast_in_dim3A_147, %iota3A_148 : vector<64x512xi32>
    %convert_element_type3A_150 = arith.extui %eq3A_149 : vector<64x512xi1> to vector<64x512xi32>
    %convert_element_type3A_151 = arith.sitofp %convert_element_type3A_150 : vector<64x512xi32> to vector<64x512xf32>
    %dot_general3A_152 = arith.constant dense<0.000000e+00> : vector<64x512xf32>
    %dot_general3A_153 = tpu.matmul %convert_element_type3A_151, %get3A_1, %dot_general3A_152 {dimension_numbers = #tpu.dot_dimension_numbers<[1], [0], [0], [1], [0, 0, 1, 1], [], []>, transpose_lhs_hint = false} : vector<64x512xf32>, vector<512x512xf32>, vector<64x512xf32> -> vector<64x512xf32>
    %add3A_154 = vector.broadcast %add3A_142 : vector<64x1xf32> to vector<64x512xf32>
    %add3A_155 = arith.addf %dot_general3A_153, %add3A_154 : vector<64x512xf32>
    %mul3A_156 = arith.mulf %convert_element_type3A_151, %add3A_155 : vector<64x512xf32>
    %reduce_sum3A_157 = arith.constant dense<0.000000e+00> : vector<512xf32>
    %reduce_sum3A_158 = vector.multi_reduction <add>, %mul3A_156, %reduce_sum3A_157 [0] : vector<64x512xf32> to vector<512xf32>
    %broadcast_in_dim3A_159 = vector.shape_cast %reduce_sum3A_158 : vector<512xf32> to vector<1x512xf32>
    %reduce_sum3A_160 = arith.constant dense<0.000000e+00> : vector<64xf32>
    %reduce_sum3A_161 = vector.multi_reduction <add>, %convert_element_type3A_151, %reduce_sum3A_160 [1] : vector<64x512xf32> to vector<64xf32>
    %broadcast_in_dim3A_162 = vector.shape_cast %reduce_sum3A_161 : vector<64xf32> to vector<64x1xf32>
    %add3A_163 = arith.addf %add3A_142, %broadcast_in_dim3A_162 : vector<64x1xf32>
    %add3A_164 = arith.constant 7.000000e+00 : f32
    %add3A_165 = vector.broadcast %add3A_164 : f32 to vector<64x1xf32>
    %add3A_166 = arith.addf %add3A_163, %add3A_165 : vector<64x1xf32>
    %mul3A_167 = arith.constant 1.250000e-01 : f32
    %mul3A_168 = vector.broadcast %mul3A_167 : f32 to vector<64x1xf32>
    %mul3A_169 = arith.mulf %add3A_166, %mul3A_168 : vector<64x1xf32>
    %floor3A = math.floor %mul3A_169 : vector<64x1xf32>
    %mul3A_170 = arith.constant 8.000000e+00 : f32
    %mul3A_171 = vector.broadcast %mul3A_170 : f32 to vector<64x1xf32>
    %mul3A_172 = arith.mulf %floor3A, %mul3A_171 : vector<64x1xf32>
    %get3A_173 = arith.constant 0 : index
    %get3A_174 = arith.constant 0 : index
    %get3A_175 = vector.load %arg3[%get3A_173, %get3A_174] : memref<64x64xf32, #tpu.memory_space<vmem>>, vector<64x64xf32>
    %dot_general3A_176 = arith.constant dense<0.000000e+00> : vector<64x1xf32>
    %dot_general3A_177 = tpu.matmul %get3A_175, %mul3A_172, %dot_general3A_176 {dimension_numbers = #tpu.dot_dimension_numbers<[1], [0], [0], [1], [0, 0, 1, 1], [], []>, transpose_lhs_hint = false} : vector<64x64xf32>, vector<64x1xf32>, vector<64x1xf32> -> vector<64x1xf32>
    %add3A_178 = arith.constant 1.270000e+02 : f32
    %add3A_179 = vector.broadcast %add3A_178 : f32 to vector<64x1xf32>
    %add3A_180 = arith.addf %add3A_163, %add3A_179 : vector<64x1xf32>
    %mul3A_181 = arith.constant 7.812500e-03 : f32
    %mul3A_182 = vector.broadcast %mul3A_181 : f32 to vector<64x1xf32>
    %mul3A_183 = arith.mulf %add3A_180, %mul3A_182 : vector<64x1xf32>
    %floor3A_184 = math.floor %mul3A_183 : vector<64x1xf32>
    %iota3A_185 = tpu.iota {dimensions = array<i32: 1>} : vector<64x128xi32>
    %eq3A_186 = arith.constant 0 : i32
    %eq3A_187 = vector.broadcast %eq3A_186 : i32 to vector<64x128xi32>
    %eq3A_188 = arith.cmpi eq, %iota3A_185, %eq3A_187 : vector<64x128xi32>
    %eq3A_189 = arith.constant 1 : i32
    %eq3A_190 = vector.broadcast %eq3A_189 : i32 to vector<64x128xi32>
    %eq3A_191 = arith.cmpi eq, %iota3A_185, %eq3A_190 : vector<64x128xi32>
    %jit3A = arith.constant 0.000000e+00 : f32
    %broadcast_in_dim3A_192 = vector.shape_cast %floor3A_184 : vector<64x1xf32> to vector<64x1xf32>
    %broadcast_in_dim3A_193 = vector.broadcast %broadcast_in_dim3A_192 : vector<64x1xf32> to vector<64x128xf32>
    %broadcast_in_dim3A_194 = vector.broadcast %jit3A : f32 to vector<64x128xf32>
    %select_n3A = arith.select %eq3A_191, %broadcast_in_dim3A_193, %broadcast_in_dim3A_194 : vector<64x128xi1>, vector<64x128xf32>
    %broadcast_in_dim3A_195 = vector.shape_cast %dot_general3A_177 : vector<64x1xf32> to vector<64x1xf32>
    %broadcast_in_dim3A_196 = vector.broadcast %broadcast_in_dim3A_195 : vector<64x1xf32> to vector<64x128xf32>
    %select_n3A_197 = arith.select %eq3A_188, %broadcast_in_dim3A_196, %select_n3A : vector<64x128xi1>, vector<64x128xf32>
    %convert_element_type3A_198 = arith.fptosi %select_n3A_197 : vector<64x128xf32> to vector<64x128xi32>
    %swap3A = arith.constant 0 : index
    %swap3A_199 = arith.constant 0 : index
    %swap3A_200 = vector.load %arg5[%swap3A, %swap3A_199] : memref<64x128xi32, #tpu.memory_space<vmem>>, vector<64x128xi32>
    tpu.vector_store %arg5[%swap3A, %swap3A_199], %convert_element_type3A_198 {strides = array<i32>} : memref<64x128xi32, #tpu.memory_space<vmem>>, vector<64x128xi32>,
    %get3A_201 = arith.constant 0 : index
    %get3A_202 = arith.constant 0 : index
    %get3A_203 = vector.load %arg1[%get3A_201, %get3A_202] : memref<8x512xi32, #tpu.memory_space<vmem>>, vector<1x512xi32>
    %broadcast_in_dim3A_204 = vector.shape_cast %get3A_203 : vector<1x512xi32> to vector<1x512xi32>
    %broadcast_in_dim3A_205 = vector.broadcast %broadcast_in_dim3A_204 : vector<1x512xi32> to vector<64x512xi32>
    %iota3A_206 = tpu.iota {dimensions = array<i32: 0>} : vector<64x512xi32>
    %eq3A_207 = arith.cmpi eq, %broadcast_in_dim3A_205, %iota3A_206 : vector<64x512xi32>
    %convert_element_type3A_208 = arith.extui %eq3A_207 : vector<64x512xi1> to vector<64x512xi32>
    %convert_element_type3A_209 = arith.sitofp %convert_element_type3A_208 : vector<64x512xi32> to vector<64x512xf32>
    %mul3A_210 = vector.broadcast %dot_general3A_177 : vector<64x1xf32> to vector<64x512xf32>
    %mul3A_211 = arith.mulf %convert_element_type3A_209, %mul3A_210 : vector<64x512xf32>
    %reduce_sum3A_212 = arith.constant dense<0.000000e+00> : vector<512xf32>
    %reduce_sum3A_213 = vector.multi_reduction <add>, %mul3A_211, %reduce_sum3A_212 [0] : vector<64x512xf32> to vector<512xf32>
    %broadcast_in_dim3A_214 = vector.shape_cast %reduce_sum3A_213 : vector<512xf32> to vector<1x512xf32>
    %add3A_215 = arith.addf %broadcast_in_dim3A_12, %broadcast_in_dim3A_214 : vector<1x512xf32>
    %convert_element_type3A_216 = arith.fptosi %add3A_215 : vector<1x512xf32> to vector<1x512xi32>
    %swap3A_217 = arith.constant 0 : index
    %swap3A_218 = arith.constant 0 : index
    %swap3A_219 = vector.load %arg4[%swap3A_217, %swap3A_218] : memref<8x512xi32, #tpu.memory_space<vmem>>, vector<1x512xi32>
    tpu.vector_store %arg4[%swap3A_217, %swap3A_218], %convert_element_type3A_216 {strides = array<i32>} : memref<8x512xi32, #tpu.memory_space<vmem>>, vector<1x512xi32>,
    %get3A_220 = arith.constant 1 : index
    %get3A_221 = arith.constant 0 : index
    %get3A_222 = vector.load %arg1[%get3A_220, %get3A_221] : memref<8x512xi32, #tpu.memory_space<vmem>>, vector<1x512xi32>
    %broadcast_in_dim3A_223 = vector.shape_cast %get3A_222 : vector<1x512xi32> to vector<1x512xi32>
    %broadcast_in_dim3A_224 = vector.broadcast %broadcast_in_dim3A_223 : vector<1x512xi32> to vector<64x512xi32>
    %iota3A_225 = tpu.iota {dimensions = array<i32: 0>} : vector<64x512xi32>
    %eq3A_226 = arith.cmpi eq, %broadcast_in_dim3A_224, %iota3A_225 : vector<64x512xi32>
    %convert_element_type3A_227 = arith.extui %eq3A_226 : vector<64x512xi1> to vector<64x512xi32>
    %convert_element_type3A_228 = arith.sitofp %convert_element_type3A_227 : vector<64x512xi32> to vector<64x512xf32>
    %mul3A_229 = vector.broadcast %dot_general3A_177 : vector<64x1xf32> to vector<64x512xf32>
    %mul3A_230 = arith.mulf %convert_element_type3A_228, %mul3A_229 : vector<64x512xf32>
    %reduce_sum3A_231 = arith.constant dense<0.000000e+00> : vector<512xf32>
    %reduce_sum3A_232 = vector.multi_reduction <add>, %mul3A_230, %reduce_sum3A_231 [0] : vector<64x512xf32> to vector<512xf32>
    %broadcast_in_dim3A_233 = vector.shape_cast %reduce_sum3A_232 : vector<512xf32> to vector<1x512xf32>
    %add3A_234 = arith.addf %broadcast_in_dim3A_33, %broadcast_in_dim3A_233 : vector<1x512xf32>
    %convert_element_type3A_235 = arith.fptosi %add3A_234 : vector<1x512xf32> to vector<1x512xi32>
    %swap3A_236 = arith.constant 1 : index
    %swap3A_237 = arith.constant 0 : index
    %swap3A_238 = vector.load %arg4[%swap3A_236, %swap3A_237] : memref<8x512xi32, #tpu.memory_space<vmem>>, vector<1x512xi32>
    tpu.vector_store %arg4[%swap3A_236, %swap3A_237], %convert_element_type3A_235 {strides = array<i32>} : memref<8x512xi32, #tpu.memory_space<vmem>>, vector<1x512xi32>,
    %get3A_239 = arith.constant 2 : index
    %get3A_240 = arith.constant 0 : index
    %get3A_241 = vector.load %arg1[%get3A_239, %get3A_240] : memref<8x512xi32, #tpu.memory_space<vmem>>, vector<1x512xi32>
    %broadcast_in_dim3A_242 = vector.shape_cast %get3A_241 : vector<1x512xi32> to vector<1x512xi32>
    %broadcast_in_dim3A_243 = vector.broadcast %broadcast_in_dim3A_242 : vector<1x512xi32> to vector<64x512xi32>
    %iota3A_244 = tpu.iota {dimensions = array<i32: 0>} : vector<64x512xi32>
    %eq3A_245 = arith.cmpi eq, %broadcast_in_dim3A_243, %iota3A_244 : vector<64x512xi32>
    %convert_element_type3A_246 = arith.extui %eq3A_245 : vector<64x512xi1> to vector<64x512xi32>
    %convert_element_type3A_247 = arith.sitofp %convert_element_type3A_246 : vector<64x512xi32> to vector<64x512xf32>
    %mul3A_248 = vector.broadcast %dot_general3A_177 : vector<64x1xf32> to vector<64x512xf32>
    %mul3A_249 = arith.mulf %convert_element_type3A_247, %mul3A_248 : vector<64x512xf32>
    %reduce_sum3A_250 = arith.constant dense<0.000000e+00> : vector<512xf32>
    %reduce_sum3A_251 = vector.multi_reduction <add>, %mul3A_249, %reduce_sum3A_250 [0] : vector<64x512xf32> to vector<512xf32>
    %broadcast_in_dim3A_252 = vector.shape_cast %reduce_sum3A_251 : vector<512xf32> to vector<1x512xf32>
    %add3A_253 = arith.addf %broadcast_in_dim3A_54, %broadcast_in_dim3A_252 : vector<1x512xf32>
    %convert_element_type3A_254 = arith.fptosi %add3A_253 : vector<1x512xf32> to vector<1x512xi32>
    %swap3A_255 = arith.constant 2 : index
    %swap3A_256 = arith.constant 0 : index
    %swap3A_257 = vector.load %arg4[%swap3A_255, %swap3A_256] : memref<8x512xi32, #tpu.memory_space<vmem>>, vector<1x512xi32>
    tpu.vector_store %arg4[%swap3A_255, %swap3A_256], %convert_element_type3A_254 {strides = array<i32>} : memref<8x512xi32, #tpu.memory_space<vmem>>, vector<1x512xi32>,
    %get3A_258 = arith.constant 3 : index
    %get3A_259 = arith.constant 0 : index
    %get3A_260 = vector.load %arg1[%get3A_258, %get3A_259] : memref<8x512xi32, #tpu.memory_space<vmem>>, vector<1x512xi32>
    %broadcast_in_dim3A_261 = vector.shape_cast %get3A_260 : vector<1x512xi32> to vector<1x512xi32>
    %broadcast_in_dim3A_262 = vector.broadcast %broadcast_in_dim3A_261 : vector<1x512xi32> to vector<64x512xi32>
    %iota3A_263 = tpu.iota {dimensions = array<i32: 0>} : vector<64x512xi32>
    %eq3A_264 = arith.cmpi eq, %broadcast_in_dim3A_262, %iota3A_263 : vector<64x512xi32>
    %convert_element_type3A_265 = arith.extui %eq3A_264 : vector<64x512xi1> to vector<64x512xi32>
    %convert_element_type3A_266 = arith.sitofp %convert_element_type3A_265 : vector<64x512xi32> to vector<64x512xf32>
    %mul3A_267 = vector.broadcast %dot_general3A_177 : vector<64x1xf32> to vector<64x512xf32>
    %mul3A_268 = arith.mulf %convert_element_type3A_266, %mul3A_267 : vector<64x512xf32>
    %reduce_sum3A_269 = arith.constant dense<0.000000e+00> : vector<512xf32>
    %reduce_sum3A_270 = vector.multi_reduction <add>, %mul3A_268, %reduce_sum3A_269 [0] : vector<64x512xf32> to vector<512xf32>
    %broadcast_in_dim3A_271 = vector.shape_cast %reduce_sum3A_270 : vector<512xf32> to vector<1x512xf32>
    %add3A_272 = arith.addf %broadcast_in_dim3A_75, %broadcast_in_dim3A_271 : vector<1x512xf32>
    %convert_element_type3A_273 = arith.fptosi %add3A_272 : vector<1x512xf32> to vector<1x512xi32>
    %swap3A_274 = arith.constant 3 : index
    %swap3A_275 = arith.constant 0 : index
    %swap3A_276 = vector.load %arg4[%swap3A_274, %swap3A_275] : memref<8x512xi32, #tpu.memory_space<vmem>>, vector<1x512xi32>
    tpu.vector_store %arg4[%swap3A_274, %swap3A_275], %convert_element_type3A_273 {strides = array<i32>} : memref<8x512xi32, #tpu.memory_space<vmem>>, vector<1x512xi32>,
    %get3A_277 = arith.constant 4 : index
    %get3A_278 = arith.constant 0 : index
    %get3A_279 = vector.load %arg1[%get3A_277, %get3A_278] : memref<8x512xi32, #tpu.memory_space<vmem>>, vector<1x512xi32>
    %broadcast_in_dim3A_280 = vector.shape_cast %get3A_279 : vector<1x512xi32> to vector<1x512xi32>
    %broadcast_in_dim3A_281 = vector.broadcast %broadcast_in_dim3A_280 : vector<1x512xi32> to vector<64x512xi32>
    %iota3A_282 = tpu.iota {dimensions = array<i32: 0>} : vector<64x512xi32>
    %eq3A_283 = arith.cmpi eq, %broadcast_in_dim3A_281, %iota3A_282 : vector<64x512xi32>
    %convert_element_type3A_284 = arith.extui %eq3A_283 : vector<64x512xi1> to vector<64x512xi32>
    %convert_element_type3A_285 = arith.sitofp %convert_element_type3A_284 : vector<64x512xi32> to vector<64x512xf32>
    %mul3A_286 = vector.broadcast %dot_general3A_177 : vector<64x1xf32> to vector<64x512xf32>
    %mul3A_287 = arith.mulf %convert_element_type3A_285, %mul3A_286 : vector<64x512xf32>
    %reduce_sum3A_288 = arith.constant dense<0.000000e+00> : vector<512xf32>
    %reduce_sum3A_289 = vector.multi_reduction <add>, %mul3A_287, %reduce_sum3A_288 [0] : vector<64x512xf32> to vector<512xf32>
    %broadcast_in_dim3A_290 = vector.shape_cast %reduce_sum3A_289 : vector<512xf32> to vector<1x512xf32>
    %add3A_291 = arith.addf %broadcast_in_dim3A_96, %broadcast_in_dim3A_290 : vector<1x512xf32>
    %convert_element_type3A_292 = arith.fptosi %add3A_291 : vector<1x512xf32> to vector<1x512xi32>
    %swap3A_293 = arith.constant 4 : index
    %swap3A_294 = arith.constant 0 : index
    %swap3A_295 = vector.load %arg4[%swap3A_293, %swap3A_294] : memref<8x512xi32, #tpu.memory_space<vmem>>, vector<1x512xi32>
    tpu.vector_store %arg4[%swap3A_293, %swap3A_294], %convert_element_type3A_292 {strides = array<i32>} : memref<8x512xi32, #tpu.memory_space<vmem>>, vector<1x512xi32>,
    %get3A_296 = arith.constant 5 : index
    %get3A_297 = arith.constant 0 : index
    %get3A_298 = vector.load %arg1[%get3A_296, %get3A_297] : memref<8x512xi32, #tpu.memory_space<vmem>>, vector<1x512xi32>
    %broadcast_in_dim3A_299 = vector.shape_cast %get3A_298 : vector<1x512xi32> to vector<1x512xi32>
    %broadcast_in_dim3A_300 = vector.broadcast %broadcast_in_dim3A_299 : vector<1x512xi32> to vector<64x512xi32>
    %iota3A_301 = tpu.iota {dimensions = array<i32: 0>} : vector<64x512xi32>
    %eq3A_302 = arith.cmpi eq, %broadcast_in_dim3A_300, %iota3A_301 : vector<64x512xi32>
    %convert_element_type3A_303 = arith.extui %eq3A_302 : vector<64x512xi1> to vector<64x512xi32>
    %convert_element_type3A_304 = arith.sitofp %convert_element_type3A_303 : vector<64x512xi32> to vector<64x512xf32>
    %mul3A_305 = vector.broadcast %dot_general3A_177 : vector<64x1xf32> to vector<64x512xf32>
    %mul3A_306 = arith.mulf %convert_element_type3A_304, %mul3A_305 : vector<64x512xf32>
    %reduce_sum3A_307 = arith.constant dense<0.000000e+00> : vector<512xf32>
    %reduce_sum3A_308 = vector.multi_reduction <add>, %mul3A_306, %reduce_sum3A_307 [0] : vector<64x512xf32> to vector<512xf32>
    %broadcast_in_dim3A_309 = vector.shape_cast %reduce_sum3A_308 : vector<512xf32> to vector<1x512xf32>
    %add3A_310 = arith.addf %broadcast_in_dim3A_117, %broadcast_in_dim3A_309 : vector<1x512xf32>
    %convert_element_type3A_311 = arith.fptosi %add3A_310 : vector<1x512xf32> to vector<1x512xi32>
    %swap3A_312 = arith.constant 5 : index
    %swap3A_313 = arith.constant 0 : index
    %swap3A_314 = vector.load %arg4[%swap3A_312, %swap3A_313] : memref<8x512xi32, #tpu.memory_space<vmem>>, vector<1x512xi32>
    tpu.vector_store %arg4[%swap3A_312, %swap3A_313], %convert_element_type3A_311 {strides = array<i32>} : memref<8x512xi32, #tpu.memory_space<vmem>>, vector<1x512xi32>,
    %get3A_315 = arith.constant 6 : index
    %get3A_316 = arith.constant 0 : index
    %get3A_317 = vector.load %arg1[%get3A_315, %get3A_316] : memref<8x512xi32, #tpu.memory_space<vmem>>, vector<1x512xi32>
    %broadcast_in_dim3A_318 = vector.shape_cast %get3A_317 : vector<1x512xi32> to vector<1x512xi32>
    %broadcast_in_dim3A_319 = vector.broadcast %broadcast_in_dim3A_318 : vector<1x512xi32> to vector<64x512xi32>
    %iota3A_320 = tpu.iota {dimensions = array<i32: 0>} : vector<64x512xi32>
    %eq3A_321 = arith.cmpi eq, %broadcast_in_dim3A_319, %iota3A_320 : vector<64x512xi32>
    %convert_element_type3A_322 = arith.extui %eq3A_321 : vector<64x512xi1> to vector<64x512xi32>
    %convert_element_type3A_323 = arith.sitofp %convert_element_type3A_322 : vector<64x512xi32> to vector<64x512xf32>
    %mul3A_324 = vector.broadcast %dot_general3A_177 : vector<64x1xf32> to vector<64x512xf32>
    %mul3A_325 = arith.mulf %convert_element_type3A_323, %mul3A_324 : vector<64x512xf32>
    %reduce_sum3A_326 = arith.constant dense<0.000000e+00> : vector<512xf32>
    %reduce_sum3A_327 = vector.multi_reduction <add>, %mul3A_325, %reduce_sum3A_326 [0] : vector<64x512xf32> to vector<512xf32>
    %broadcast_in_dim3A_328 = vector.shape_cast %reduce_sum3A_327 : vector<512xf32> to vector<1x512xf32>
    %add3A_329 = arith.addf %broadcast_in_dim3A_138, %broadcast_in_dim3A_328 : vector<1x512xf32>
    %convert_element_type3A_330 = arith.fptosi %add3A_329 : vector<1x512xf32> to vector<1x512xi32>
    %swap3A_331 = arith.constant 6 : index
    %swap3A_332 = arith.constant 0 : index
    %swap3A_333 = vector.load %arg4[%swap3A_331, %swap3A_332] : memref<8x512xi32, #tpu.memory_space<vmem>>, vector<1x512xi32>
    tpu.vector_store %arg4[%swap3A_331, %swap3A_332], %convert_element_type3A_330 {strides = array<i32>} : memref<8x512xi32, #tpu.memory_space<vmem>>, vector<1x512xi32>,
    %get3A_334 = arith.constant 7 : index
    %get3A_335 = arith.constant 0 : index
    %get3A_336 = vector.load %arg1[%get3A_334, %get3A_335] : memref<8x512xi32, #tpu.memory_space<vmem>>, vector<1x512xi32>
    %broadcast_in_dim3A_337 = vector.shape_cast %get3A_336 : vector<1x512xi32> to vector<1x512xi32>
    %broadcast_in_dim3A_338 = vector.broadcast %broadcast_in_dim3A_337 : vector<1x512xi32> to vector<64x512xi32>
    %iota3A_339 = tpu.iota {dimensions = array<i32: 0>} : vector<64x512xi32>
    %eq3A_340 = arith.cmpi eq, %broadcast_in_dim3A_338, %iota3A_339 : vector<64x512xi32>
    %convert_element_type3A_341 = arith.extui %eq3A_340 : vector<64x512xi1> to vector<64x512xi32>
    %convert_element_type3A_342 = arith.sitofp %convert_element_type3A_341 : vector<64x512xi32> to vector<64x512xf32>
    %mul3A_343 = vector.broadcast %dot_general3A_177 : vector<64x1xf32> to vector<64x512xf32>
    %mul3A_344 = arith.mulf %convert_element_type3A_342, %mul3A_343 : vector<64x512xf32>
    %reduce_sum3A_345 = arith.constant dense<0.000000e+00> : vector<512xf32>
    %reduce_sum3A_346 = vector.multi_reduction <add>, %mul3A_344, %reduce_sum3A_345 [0] : vector<64x512xf32> to vector<512xf32>
    %broadcast_in_dim3A_347 = vector.shape_cast %reduce_sum3A_346 : vector<512xf32> to vector<1x512xf32>
    %add3A_348 = arith.addf %broadcast_in_dim3A_159, %broadcast_in_dim3A_347 : vector<1x512xf32>
    %convert_element_type3A_349 = arith.fptosi %add3A_348 : vector<1x512xf32> to vector<1x512xi32>
    %swap3A_350 = arith.constant 7 : index
    %swap3A_351 = arith.constant 0 : index
    %swap3A_352 = vector.load %arg4[%swap3A_350, %swap3A_351] : memref<8x512xi32, #tpu.memory_space<vmem>>, vector<1x512xi32>
    tpu.vector_store %arg4[%swap3A_350, %swap3A_351], %convert_element_type3A_349 {strides = array<i32>} : memref<8x512xi32, #tpu.memory_space<vmem>>, vector<1x512xi32>,
    return
  }
  func.func @transform_0(%arg0: i32) -> (i32, i32) {
    %c0_i32 = arith.constant 0 : i32
    %c0_i32_0 = arith.constant 0 : i32
    %c0_i32_1 = arith.constant 0 : i32
    return %c0_i32, %c0_i32_0 : i32, i32
  }
  func.func @transform_1(%arg0: i32) -> (i32, i32) {
    %c0_i32 = arith.constant 0 : i32
    %c0_i32_0 = arith.constant 0 : i32
    %c0_i32_1 = arith.constant 0 : i32
    return %c0_i32, %c0_i32_0 : i32, i32
  }
  func.func @transform_2(%arg0: i32) -> (i32, i32) {
    %c0_i32 = arith.constant 0 : i32
    %c0_i32_0 = arith.constant 0 : i32
    %c0_i32_1 = arith.constant 0 : i32
    return %c0_i32, %c0_i32_0 : i32, i32
  }
  func.func @transform_3(%arg0: i32) -> (i32, i32) {
    %c0_i32 = arith.constant 0 : i32
    %c0_i32_0 = arith.constant 0 : i32
    %c0_i32_1 = arith.constant 0 : i32
    return %c0_i32, %c0_i32_0 : i32, i32
  }
  func.func @transform_4(%arg0: i32) -> (i32, i32) {
    %c0_i32 = arith.constant 0 : i32
    %c0_i32_0 = arith.constant 0 : i32
    %c0_i32_1 = arith.constant 0 : i32
    return %c0_i32, %c0_i32_0 : i32, i32
  }
}

module attributes {stable_mosaic.version = 14 : i64} {
  func.func @_ffn_kernel(%arg0: i32, %arg1: memref<64xi32, #tpu.memory_space<smem>>, %arg2: memref<64xi32, #tpu.memory_space<smem>>, %arg3: memref<4736x768xf32, #tpu.memory_space<vmem>>, %arg4: memref<1x512x768xf32, #tpu.memory_space<vmem>>, %arg5: memref<1x768x512xf32, #tpu.memory_space<vmem>>, %arg6: memref<4736x768xf32, #tpu.memory_space<vmem>>) attributes {dimension_semantics = [#tpu.dimension_semantics<arbitrary>], iteration_bounds = array<i64: 64>, scalar_prefetch = 2 : i64, scratch_operands = 0 : i64, tpu.core_type = #tpu.core_type<tc>, window_params = [{pipeline_mode = #tpu.pipeline_mode<synchronous>, transform_indices = @transform_0, window_bounds = array<i64: 4736, 768>}, {transform_indices = @transform_1, window_bounds = array<i64: 1, 512, 768>}, {transform_indices = @transform_2, window_bounds = array<i64: 1, 768, 512>}, {pipeline_mode = #tpu.pipeline_mode<synchronous>, transform_indices = @transform_3, window_bounds = array<i64: 4736, 768>}]} {
    %get3A = arith.index_cast %arg0 : i32 to index
    %get3A_0 = memref.load %arg1[%get3A] : memref<64xi32, #tpu.memory_space<smem>>
    %get3A_1 = arith.index_cast %arg0 : i32 to index
    %get3A_2 = memref.load %arg2[%get3A_1] : memref<64xi32, #tpu.memory_space<smem>>
    %get3A_3 = arith.constant 0 : index
    %get3A_4 = arith.constant 0 : index
    %get3A_5 = arith.constant 0 : index
    %get3A_6 = vector.load %arg4[%get3A_3, %get3A_4, %get3A_5] : memref<1x512x768xf32, #tpu.memory_space<vmem>>, vector<1x512x768xf32>
    %get3A_7 = vector.shape_cast %get3A_6 : vector<1x512x768xf32> to vector<512x768xf32>
    %convert_element_type3A = arith.truncf %get3A_7 : vector<512x768xf32> to vector<512x768xbf16>
    %get3A_8 = arith.constant 0 : index
    %get3A_9 = arith.constant 0 : index
    %get3A_10 = arith.constant 0 : index
    %get3A_11 = vector.load %arg5[%get3A_8, %get3A_9, %get3A_10] : memref<1x768x512xf32, #tpu.memory_space<vmem>>, vector<1x768x512xf32>
    %get3A_12 = vector.shape_cast %get3A_11 : vector<1x768x512xf32> to vector<768x512xf32>
    %convert_element_type3A_13 = arith.truncf %get3A_12 : vector<768x512xf32> to vector<768x512xbf16>
    %while3A = arith.constant 0 : i32
    %while3A_14 = arith.constant 0 : i32
    %while3A_15 = arith.subi %get3A_2, %while3A : i32
    %while3A_16 = arith.addi %while3A, %while3A_15 : i32
    %while3A_17 = arith.constant 1 : i32
    %while3A_18 = arith.divsi %while3A_15, %while3A_17 : i32
    %while3A_19 = arith.muli %while3A_18, %while3A_17 : i32
    %while3A_20 = arith.addi %while3A, %while3A_19 : i32
    %while3A_21 = arith.constant 1 : i32
    %while3A_22 = scf.for %while3A_25 = %while3A to %while3A_20 step %while3A_21 iter_args(%while3A_26 = %while3A_14) -> (i32)  : i32 {
      %mul3A = arith.constant 128 : i32
      %mul3A_27 = arith.muli %while3A_25, %mul3A : i32
      %add3A = arith.addi %get3A_0, %mul3A_27 : i32
      %multiple_of3A = tpu.assume_multiple %add3A, 8 : i32
      %get3A_28 = arith.index_cast %multiple_of3A : i32 to index
      %get3A_29 = arith.constant 0 : index
      %get3A_30 = vector.load %arg3[%get3A_28, %get3A_29] : memref<4736x768xf32, #tpu.memory_space<vmem>>, vector<128x768xf32>
      %convert_element_type3A_31 = arith.truncf %get3A_30 : vector<128x768xf32> to vector<128x768xbf16>
      %dot_general3A = arith.constant dense<0.000000e+00> : vector<128x512xf32>
      %dot_general3A_32 = tpu.matmul %convert_element_type3A_31, %convert_element_type3A, %dot_general3A {dimension_numbers = #tpu.dot_dimension_numbers<[1], [1], [0], [0], [0, 0, 1, 0], [], []>, transpose_lhs_hint = false} : vector<128x768xbf16>, vector<512x768xbf16>, vector<128x512xf32> -> vector<128x512xf32>
      %max3A = arith.constant 0.000000e+00 : f32
      %max3A_33 = vector.broadcast %max3A : f32 to vector<128x512xf32>
      %max3A_34 = arith.maximumf %dot_general3A_32, %max3A_33 : vector<128x512xf32>
      %square3A = arith.mulf %max3A_34, %max3A_34 : vector<128x512xf32>
      %convert_element_type3A_35 = arith.truncf %square3A : vector<128x512xf32> to vector<128x512xbf16>
      %dot_general3A_36 = arith.constant dense<0.000000e+00> : vector<128x768xf32>
      %dot_general3A_37 = tpu.matmul %convert_element_type3A_35, %convert_element_type3A_13, %dot_general3A_36 {dimension_numbers = #tpu.dot_dimension_numbers<[1], [1], [0], [0], [0, 0, 1, 0], [], []>, transpose_lhs_hint = false} : vector<128x512xbf16>, vector<768x512xbf16>, vector<128x768xf32> -> vector<128x768xf32>
      %swap3A = arith.index_cast %multiple_of3A : i32 to index
      %swap3A_38 = arith.constant 0 : index
      %swap3A_39 = vector.load %arg6[%swap3A, %swap3A_38] : memref<4736x768xf32, #tpu.memory_space<vmem>>, vector<128x768xf32>
      tpu.vector_store %arg6[%swap3A, %swap3A_38], %dot_general3A_37 {strides = array<i32>} : memref<4736x768xf32, #tpu.memory_space<vmem>>, vector<128x768xf32>,
      %while3A_40 = arith.constant 0 : i32
      scf.yield %while3A_40 : i32
    }
    %while3A_23 = arith.constant 1 : i32
    %while3A_24 = scf.for %while3A_25 = %while3A_20 to %while3A_16 step %while3A_23 iter_args(%while3A_26 = %while3A_22) -> (i32)  : i32 {
      %mul3A = arith.constant 128 : i32
      %mul3A_27 = arith.muli %while3A_25, %mul3A : i32
      %add3A = arith.addi %get3A_0, %mul3A_27 : i32
      %multiple_of3A = tpu.assume_multiple %add3A, 8 : i32
      %get3A_28 = arith.index_cast %multiple_of3A : i32 to index
      %get3A_29 = arith.constant 0 : index
      %get3A_30 = vector.load %arg3[%get3A_28, %get3A_29] : memref<4736x768xf32, #tpu.memory_space<vmem>>, vector<128x768xf32>
      %convert_element_type3A_31 = arith.truncf %get3A_30 : vector<128x768xf32> to vector<128x768xbf16>
      %dot_general3A = arith.constant dense<0.000000e+00> : vector<128x512xf32>
      %dot_general3A_32 = tpu.matmul %convert_element_type3A_31, %convert_element_type3A, %dot_general3A {dimension_numbers = #tpu.dot_dimension_numbers<[1], [1], [0], [0], [0, 0, 1, 0], [], []>, transpose_lhs_hint = false} : vector<128x768xbf16>, vector<512x768xbf16>, vector<128x512xf32> -> vector<128x512xf32>
      %max3A = arith.constant 0.000000e+00 : f32
      %max3A_33 = vector.broadcast %max3A : f32 to vector<128x512xf32>
      %max3A_34 = arith.maximumf %dot_general3A_32, %max3A_33 : vector<128x512xf32>
      %square3A = arith.mulf %max3A_34, %max3A_34 : vector<128x512xf32>
      %convert_element_type3A_35 = arith.truncf %square3A : vector<128x512xf32> to vector<128x512xbf16>
      %dot_general3A_36 = arith.constant dense<0.000000e+00> : vector<128x768xf32>
      %dot_general3A_37 = tpu.matmul %convert_element_type3A_35, %convert_element_type3A_13, %dot_general3A_36 {dimension_numbers = #tpu.dot_dimension_numbers<[1], [1], [0], [0], [0, 0, 1, 0], [], []>, transpose_lhs_hint = false} : vector<128x512xbf16>, vector<768x512xbf16>, vector<128x768xf32> -> vector<128x768xf32>
      %swap3A = arith.index_cast %multiple_of3A : i32 to index
      %swap3A_38 = arith.constant 0 : index
      %swap3A_39 = vector.load %arg6[%swap3A, %swap3A_38] : memref<4736x768xf32, #tpu.memory_space<vmem>>, vector<128x768xf32>
      tpu.vector_store %arg6[%swap3A, %swap3A_38], %dot_general3A_37 {strides = array<i32>} : memref<4736x768xf32, #tpu.memory_space<vmem>>, vector<128x768xf32>,
      %while3A_40 = arith.constant 0 : i32
      scf.yield %while3A_40 : i32
    }
    return
  }
  func.func @transform_0(%arg0: i32, %arg1: memref<64xi32, #tpu.memory_space<smem>>, %arg2: memref<64xi32, #tpu.memory_space<smem>>) -> (i32, i32) {
    %c0_i32 = arith.constant 0 : i32
    %c0_i32_0 = arith.constant 0 : i32
    %c0_i32_1 = arith.constant 0 : i32
    return %c0_i32, %c0_i32_0 : i32, i32
  }
  func.func @transform_1(%arg0: i32, %arg1: memref<64xi32, #tpu.memory_space<smem>>, %arg2: memref<64xi32, #tpu.memory_space<smem>>) -> (i32, i32, i32) {
    %c0_i32 = arith.constant 0 : i32
    %c0_i32_0 = arith.constant 0 : i32
    %c0_i32_1 = arith.constant 0 : i32
    return %arg0, %c0_i32, %c0_i32_0 : i32, i32, i32
  }
  func.func @transform_2(%arg0: i32, %arg1: memref<64xi32, #tpu.memory_space<smem>>, %arg2: memref<64xi32, #tpu.memory_space<smem>>) -> (i32, i32, i32) {
    %c0_i32 = arith.constant 0 : i32
    %c0_i32_0 = arith.constant 0 : i32
    %c0_i32_1 = arith.constant 0 : i32
    return %arg0, %c0_i32, %c0_i32_0 : i32, i32, i32
  }
  func.func @transform_3(%arg0: i32, %arg1: memref<64xi32, #tpu.memory_space<smem>>, %arg2: memref<64xi32, #tpu.memory_space<smem>>) -> (i32, i32) {
    %c0_i32 = arith.constant 0 : i32
    %c0_i32_0 = arith.constant 0 : i32
    %c0_i32_1 = arith.constant 0 : i32
    return %c0_i32, %c0_i32_0 : i32, i32
  }
}

module attributes {stable_mosaic.version = 14 : i64} {
  func.func @_shared_kernel(%arg0: i32, %arg1: memref<256x768xf32, #tpu.memory_space<vmem>>, %arg2: memref<512x768xf32, #tpu.memory_space<vmem>>, %arg3: memref<768x512xf32, #tpu.memory_space<vmem>>, %arg4: memref<8x512xf32, #tpu.memory_space<vmem>>, %arg5: memref<8x768xf32, #tpu.memory_space<vmem>>, %arg6: memref<128x768xf32, #tpu.memory_space<vmem>>, %arg7: memref<256x768xf32, #tpu.memory_space<vmem>>) attributes {dimension_semantics = [#tpu.dimension_semantics<arbitrary>], iteration_bounds = array<i64: 8>, scalar_prefetch = 0 : i64, scratch_operands = 0 : i64, tpu.core_type = #tpu.core_type<tc>, window_params = [{transform_indices = @transform_0, window_bounds = array<i64: 256, 768>}, {pipeline_mode = #tpu.pipeline_mode<synchronous>, transform_indices = @transform_1, window_bounds = array<i64: 512, 768>}, {pipeline_mode = #tpu.pipeline_mode<synchronous>, transform_indices = @transform_2, window_bounds = array<i64: 768, 512>}, {pipeline_mode = #tpu.pipeline_mode<synchronous>, transform_indices = @transform_3, window_bounds = array<i64: 8, 512>}, {pipeline_mode = #tpu.pipeline_mode<synchronous>, transform_indices = @transform_4, window_bounds = array<i64: 8, 768>}, {pipeline_mode = #tpu.pipeline_mode<synchronous>, transform_indices = @transform_5, window_bounds = array<i64: 128, 768>}, {transform_indices = @transform_6, window_bounds = array<i64: 256, 768>}]} {
    %get3A = arith.constant 0 : index
    %get3A_0 = arith.constant 0 : index
    %get3A_1 = vector.load %arg1[%get3A, %get3A_0] : memref<256x768xf32, #tpu.memory_space<vmem>>, vector<256x768xf32>
    %mul3A = arith.mulf %get3A_1, %get3A_1 : vector<256x768xf32>
    %reduce_sum3A = arith.constant dense<0.000000e+00> : vector<256xf32>
    %reduce_sum3A_2 = vector.multi_reduction <add>, %mul3A, %reduce_sum3A [1] : vector<256x768xf32> to vector<256xf32>
    %broadcast_in_dim3A = vector.shape_cast %reduce_sum3A_2 : vector<256xf32> to vector<256x1xf32>
    %div3A = arith.constant 7.680000e+02 : f32
    %div3A_3 = vector.broadcast %div3A : f32 to vector<256x1xf32>
    %div3A_4 = arith.divf %broadcast_in_dim3A, %div3A_3 : vector<256x1xf32>
    %add3A = arith.constant 1.1920929E-7 : f32
    %add3A_5 = vector.broadcast %add3A : f32 to vector<256x1xf32>
    %add3A_6 = arith.addf %div3A_4, %add3A_5 : vector<256x1xf32>
    %rsqrt3A = math.rsqrt %add3A_6 : vector<256x1xf32>
    %mul3A_7 = vector.broadcast %rsqrt3A : vector<256x1xf32> to vector<256x768xf32>
    %mul3A_8 = arith.mulf %get3A_1, %mul3A_7 : vector<256x768xf32>
    %convert_element_type3A = arith.truncf %mul3A_8 : vector<256x768xf32> to vector<256x768xbf16>
    %get3A_9 = arith.constant 0 : index
    %get3A_10 = arith.constant 0 : index
    %get3A_11 = vector.load %arg2[%get3A_9, %get3A_10] : memref<512x768xf32, #tpu.memory_space<vmem>>, vector<512x768xf32>
    %convert_element_type3A_12 = arith.truncf %get3A_11 : vector<512x768xf32> to vector<512x768xbf16>
    %dot_general3A = arith.constant dense<0.000000e+00> : vector<256x512xf32>
    %dot_general3A_13 = tpu.matmul %convert_element_type3A, %convert_element_type3A_12, %dot_general3A {dimension_numbers = #tpu.dot_dimension_numbers<[1], [1], [0], [0], [0, 0, 1, 0], [], []>, transpose_lhs_hint = false} : vector<256x768xbf16>, vector<512x768xbf16>, vector<256x512xf32> -> vector<256x512xf32>
    %get3A_14 = arith.constant 0 : index
    %get3A_15 = arith.constant 0 : index
    %get3A_16 = vector.load %arg4[%get3A_14, %get3A_15] : memref<8x512xf32, #tpu.memory_space<vmem>>, vector<1x512xf32>
    %add3A_17 = vector.broadcast %get3A_16 : vector<1x512xf32> to vector<256x512xf32>
    %add3A_18 = arith.addf %dot_general3A_13, %add3A_17 : vector<256x512xf32>
    %max3A = arith.constant 0.000000e+00 : f32
    %max3A_19 = vector.broadcast %max3A : f32 to vector<256x512xf32>
    %max3A_20 = arith.maximumf %add3A_18, %max3A_19 : vector<256x512xf32>
    %square3A = arith.mulf %max3A_20, %max3A_20 : vector<256x512xf32>
    %convert_element_type3A_21 = arith.truncf %square3A : vector<256x512xf32> to vector<256x512xbf16>
    %get3A_22 = arith.constant 0 : index
    %get3A_23 = arith.constant 0 : index
    %get3A_24 = vector.load %arg3[%get3A_22, %get3A_23] : memref<768x512xf32, #tpu.memory_space<vmem>>, vector<768x512xf32>
    %convert_element_type3A_25 = arith.truncf %get3A_24 : vector<768x512xf32> to vector<768x512xbf16>
    %dot_general3A_26 = arith.constant dense<0.000000e+00> : vector<256x768xf32>
    %dot_general3A_27 = tpu.matmul %convert_element_type3A_21, %convert_element_type3A_25, %dot_general3A_26 {dimension_numbers = #tpu.dot_dimension_numbers<[1], [1], [0], [0], [0, 0, 1, 0], [], []>, transpose_lhs_hint = false} : vector<256x512xbf16>, vector<768x512xbf16>, vector<256x768xf32> -> vector<256x768xf32>
    %get3A_28 = arith.constant 0 : index
    %get3A_29 = arith.constant 0 : index
    %get3A_30 = vector.load %arg5[%get3A_28, %get3A_29] : memref<8x768xf32, #tpu.memory_space<vmem>>, vector<1x768xf32>
    %add3A_31 = vector.broadcast %get3A_30 : vector<1x768xf32> to vector<256x768xf32>
    %add3A_32 = arith.addf %dot_general3A_27, %add3A_31 : vector<256x768xf32>
    %get3A_33 = arith.constant 0 : index
    %get3A_34 = arith.constant 0 : index
    %get3A_35 = vector.load %arg6[%get3A_33, %get3A_34] : memref<128x768xf32, #tpu.memory_space<vmem>>, vector<128x768xf32>
    %dot_general3A_36 = arith.constant dense<0.000000e+00> : vector<256x128xf32>
    %dot_general3A_37 = tpu.matmul %get3A_1, %get3A_35, %dot_general3A_36 {dimension_numbers = #tpu.dot_dimension_numbers<[1], [1], [0], [0], [0, 0, 1, 0], [], []>, transpose_lhs_hint = false} : vector<256x768xf32>, vector<128x768xf32>, vector<256x128xf32> -> vector<256x128xf32>
    %logistic3A = arith.negf %dot_general3A_37 : vector<256x128xf32>
    %logistic3A_38 = math.exp %logistic3A : vector<256x128xf32>
    %logistic3A_39 = arith.constant 1.000000e+00 : f32
    %logistic3A_40 = vector.broadcast %logistic3A_39 : f32 to vector<256x128xf32>
    %logistic3A_41 = arith.addf %logistic3A_40, %logistic3A_38 : vector<256x128xf32>
    %logistic3A_42 = arith.divf %logistic3A_40, %logistic3A_41 : vector<256x128xf32>
    %slice3A = vector.extract_strided_slice %logistic3A_42 {offsets = [0, 0], sizes = [256, 1], strides = [1, 1]} : vector<256x128xf32> to vector<256x1xf32>
    %mul3A_43 = vector.broadcast %slice3A : vector<256x1xf32> to vector<256x768xf32>
    %mul3A_44 = arith.mulf %mul3A_43, %add3A_32 : vector<256x768xf32>
    %swap3A = arith.constant 0 : index
    %swap3A_45 = arith.constant 0 : index
    %swap3A_46 = vector.load %arg7[%swap3A, %swap3A_45] : memref<256x768xf32, #tpu.memory_space<vmem>>, vector<256x768xf32>
    tpu.vector_store %arg7[%swap3A, %swap3A_45], %mul3A_44 {strides = array<i32>} : memref<256x768xf32, #tpu.memory_space<vmem>>, vector<256x768xf32>,
    return
  }
  func.func @transform_0(%arg0: i32) -> (i32, i32) {
    %c0_i32 = arith.constant 0 : i32
    %c0_i32_0 = arith.constant 0 : i32
    return %arg0, %c0_i32 : i32, i32
  }
  func.func @transform_1(%arg0: i32) -> (i32, i32) {
    %c0_i32 = arith.constant 0 : i32
    %c0_i32_0 = arith.constant 0 : i32
    %c0_i32_1 = arith.constant 0 : i32
    return %c0_i32, %c0_i32_0 : i32, i32
  }
  func.func @transform_2(%arg0: i32) -> (i32, i32) {
    %c0_i32 = arith.constant 0 : i32
    %c0_i32_0 = arith.constant 0 : i32
    %c0_i32_1 = arith.constant 0 : i32
    return %c0_i32, %c0_i32_0 : i32, i32
  }
  func.func @transform_3(%arg0: i32) -> (i32, i32) {
    %c0_i32 = arith.constant 0 : i32
    %c0_i32_0 = arith.constant 0 : i32
    %c0_i32_1 = arith.constant 0 : i32
    return %c0_i32, %c0_i32_0 : i32, i32
  }
  func.func @transform_4(%arg0: i32) -> (i32, i32) {
    %c0_i32 = arith.constant 0 : i32
    %c0_i32_0 = arith.constant 0 : i32
    %c0_i32_1 = arith.constant 0 : i32
    return %c0_i32, %c0_i32_0 : i32, i32
  }
  func.func @transform_5(%arg0: i32) -> (i32, i32) {
    %c0_i32 = arith.constant 0 : i32
    %c0_i32_0 = arith.constant 0 : i32
    %c0_i32_1 = arith.constant 0 : i32
    return %c0_i32, %c0_i32_0 : i32, i32
  }
  func.func @transform_6(%arg0: i32) -> (i32, i32) {
    %c0_i32 = arith.constant 0 : i32
    %c0_i32_0 = arith.constant 0 : i32
    return %arg0, %c0_i32 : i32, i32
  }
}

module attributes {stable_mosaic.version = 14 : i64} {
  func.func @_final_kernel(%arg0: i32, %arg1: memref<256x768xf32, #tpu.memory_space<vmem>>, %arg2: memref<256x768xf32, #tpu.memory_space<vmem>>, %arg3: memref<256x768xf32, #tpu.memory_space<vmem>>, %arg4: memref<256x128xf32, #tpu.memory_space<vmem>>, %arg5: memref<256x768xf32, #tpu.memory_space<vmem>>, %arg6: memref<256x768xf32, #tpu.memory_space<vmem>>) attributes {dimension_semantics = [#tpu.dimension_semantics<arbitrary>], iteration_bounds = array<i64: 8>, scalar_prefetch = 0 : i64, scratch_operands = 0 : i64, tpu.core_type = #tpu.core_type<tc>, window_params = [{transform_indices = @transform_0, window_bounds = array<i64: 256, 768>}, {transform_indices = @transform_1, window_bounds = array<i64: 256, 768>}, {transform_indices = @transform_2, window_bounds = array<i64: 256, 768>}, {transform_indices = @transform_3, window_bounds = array<i64: 256, 128>}, {transform_indices = @transform_4, window_bounds = array<i64: 256, 768>}, {transform_indices = @transform_5, window_bounds = array<i64: 256, 768>}]} {
    %get3A = arith.constant 0 : index
    %get3A_0 = arith.constant 0 : index
    %get3A_1 = vector.load %arg4[%get3A, %get3A_0] : memref<256x128xf32, #tpu.memory_space<vmem>>, vector<256x128xf32>
    %get3A_2 = arith.constant 0 : index
    %get3A_3 = arith.constant 0 : index
    %get3A_4 = vector.load %arg1[%get3A_2, %get3A_3] : memref<256x768xf32, #tpu.memory_space<vmem>>, vector<256x768xf32>
    %slice3A = vector.extract_strided_slice %get3A_1 {offsets = [0, 0], sizes = [256, 1], strides = [1, 1]} : vector<256x128xf32> to vector<256x1xf32>
    %get3A_5 = arith.constant 0 : index
    %get3A_6 = arith.constant 0 : index
    %get3A_7 = vector.load %arg2[%get3A_5, %get3A_6] : memref<256x768xf32, #tpu.memory_space<vmem>>, vector<256x768xf32>
    %mul3A = vector.broadcast %slice3A : vector<256x1xf32> to vector<256x768xf32>
    %mul3A_8 = arith.mulf %mul3A, %get3A_7 : vector<256x768xf32>
    %add3A = arith.addf %get3A_4, %mul3A_8 : vector<256x768xf32>
    %slice3A_9 = vector.extract_strided_slice %get3A_1 {offsets = [0, 1], sizes = [256, 1], strides = [1, 1]} : vector<256x128xf32> to vector<256x1xf32>
    %get3A_10 = arith.constant 0 : index
    %get3A_11 = arith.constant 0 : index
    %get3A_12 = vector.load %arg3[%get3A_10, %get3A_11] : memref<256x768xf32, #tpu.memory_space<vmem>>, vector<256x768xf32>
    %mul3A_13 = vector.broadcast %slice3A_9 : vector<256x1xf32> to vector<256x768xf32>
    %mul3A_14 = arith.mulf %mul3A_13, %get3A_12 : vector<256x768xf32>
    %add3A_15 = arith.addf %add3A, %mul3A_14 : vector<256x768xf32>
    %get3A_16 = arith.constant 0 : index
    %get3A_17 = arith.constant 0 : index
    %get3A_18 = vector.load %arg5[%get3A_16, %get3A_17] : memref<256x768xf32, #tpu.memory_space<vmem>>, vector<256x768xf32>
    %add3A_19 = arith.addf %add3A_15, %get3A_18 : vector<256x768xf32>
    %swap3A = arith.constant 0 : index
    %swap3A_20 = arith.constant 0 : index
    %swap3A_21 = vector.load %arg6[%swap3A, %swap3A_20] : memref<256x768xf32, #tpu.memory_space<vmem>>, vector<256x768xf32>
    tpu.vector_store %arg6[%swap3A, %swap3A_20], %add3A_19 {strides = array<i32>} : memref<256x768xf32, #tpu.memory_space<vmem>>, vector<256x768xf32>,
    return
  }
  func.func @transform_0(%arg0: i32) -> (i32, i32) {
    %c0_i32 = arith.constant 0 : i32
    %c0_i32_0 = arith.constant 0 : i32
    return %arg0, %c0_i32 : i32, i32
  }
  func.func @transform_1(%arg0: i32) -> (i32, i32) {
    %c0_i32 = arith.constant 0 : i32
    %c0_i32_0 = arith.constant 0 : i32
    return %arg0, %c0_i32 : i32, i32
  }
  func.func @transform_2(%arg0: i32) -> (i32, i32) {
    %c0_i32 = arith.constant 0 : i32
    %c0_i32_0 = arith.constant 0 : i32
    return %arg0, %c0_i32 : i32, i32
  }
  func.func @transform_3(%arg0: i32) -> (i32, i32) {
    %c0_i32 = arith.constant 0 : i32
    %c0_i32_0 = arith.constant 0 : i32
    return %arg0, %c0_i32 : i32, i32
  }
  func.func @transform_4(%arg0: i32) -> (i32, i32) {
    %c0_i32 = arith.constant 0 : i32
    %c0_i32_0 = arith.constant 0 : i32
    return %arg0, %c0_i32 : i32, i32
  }
  func.func @transform_5(%arg0: i32) -> (i32, i32) {
    %c0_i32 = arith.constant 0 : i32
    %c0_i32_0 = arith.constant 0 : i32
    return %arg0, %c0_i32 : i32, i32
  }
}

</mosaic_0001>

<sc_bundles>
// kernel: kernel.11.cloned.1.call-start
scs
__scs_entry_jumppad:
0x0: {  	(pc) =	sbr.rel $0x88, $3  }
0x1: {  	(tag) =	ssettag $0x0;
	lr =	simm.s32 $0x1  }
0x2: {  	[smem:$0x3F91] =	sst lr;
	_ =	strace $0xD0000000  }
0x3: {  	_ = 	snop  }
0x4: {  	_ = 	snop  }
0x5: {  	_ = 	snop  }
0x6: {  	_ = 	snop  }
0x7: {  	_ = 	snop  }
__scs_overlays_trampoline_lowered:
0x8: {  	[smem:$0x3FA0] =	sst s0  }
0x9: {  	[smem:$0x3FA1] =	sst s1  }
0xa: {  	[smem:$0x3FA2] =	sst s2  }
0xb: {  	[smem:$0x3FA3] =	sst s3  }
0xc: {  	[smem:$0x3FA4] =	sst s4  }
0xd: {  	[smem:$0x3FA5] =	sst s5  }
0xe: {  	[smem:$0x3FA6] =	sst s6  }
0xf: {  	[smem:$0x3FA7] =	sst s7  }
0x10: {  	[smem:$0x3FA8] =	sst s8  }
0x11: {  	[smem:$0x3FA9] =	sst s9;
	s0 =	simm.s32 @!p0 $0x0  }
0x12: {  	s1 =	sld [smem:$0x3F8F];
	s0 =	simm.s32 @p0 $0x1  }
0x13: {  	[smem:$0x3FAA] =	sst s0;
	s0 =	simm.s32 @!p1 $0x0  }
0x14: {  	s2 =	sld [smem:$0x3F8E];
	s0 =	simm.s32 @p1 $0x1  }
0x15: {  	[smem:$0x3FAB] =	sst s0;
	s0 =	simm.s32 @!p2 $0x0  }
0x16: {  	s3 =	sld [smem:$0x3FDB];
	s0 =	simm.s32 @p2 $0x1  }
0x17: {  	s4 =	simm.s32 $0x1BF5;
	[smem:$0x3FAD] =	sst s0  }
0x18: {  	s0 =	sld [smem:$0x3F90];
	_ =	swait.ge [sflag:s4], $0x0  }
0x19: {  	s7 =	sld [smem:$0x3F91]  }
0x1a: {  	s8 =	sadd.s32 $0xFFFFE003, lr  }
0x1b: {  	s9 =	sadd.s32 $0xFFFFFEF7, lr;
	s5 =	simm.s32 $0xFFFFFFFF;
	p2 =	slt.u32 s8, $0xFFFFF086  }
0x1c: {  	p1 =	slt.u32 s9, $0xF7A;
	s5 =	simm.s32 @!p2 $0x0  }
0x1d: {  	s5 =	simm.s32 @p1 $0x1;
	p0 =	seq.s32 s7, s2  }
0x1e: {  	s7 =	smul.u32 @!p0 $0xF7A, s2;
	p2 =	seq.s32 @!p0 s5, $0x0  }
0x1f: {  	s9 =	smul.u32 $0xF7A, s1;
	s8 =	simm.s32 @!p0 $0x1BF5;
	p2 =	por !p2, p0  }
0x20: {  	[sflag:s8] =	ssyncset.s32 @!p0 $0xFFFFF086;
	s6 =	sadd.s32 @!p0 s3, s7;
	s7 =	simm.s32 @!p0 $0x108  }
0x21: {  	s3 =	sadd.s32 s3, s9;
	s6 =	sadd.s32 @!p0 $0x88, s6;
	s7 =	simm.s32 @p2 $0x1082  }
0x22: {  	[simem:s7], [sflag:s8] =	dma.local @!p0 [hbm:s6], $0xF7A  }
0x23: {  	s9 =	sor.u32 $0xD0000000, s2;
	s6 =	simm.s32 $0x108;
	_ =	swait.ge @!p0 [sflag:s8], $0x0  }
0x24: {  	s3 =	sadd.s32 $0x88, s3;
	s6 =	simm.s32 @!p1 $0x1082;
	[sflag:s4] =	ssyncset.s32 $0xFFFFF086  }
0x25: {  	[simem:s6], [sflag:s4] =	dma.local [hbm:s3], $0xF7A  }
0x26: {  	[smem:$0x3F91] =	sst s1;
	(tag) =	ssettag s2;
	_ =	strace s9  }
0x27: {  	s1 =	sld [smem:$0x3FA1]  }
0x28: {  	s2 =	sld [smem:$0x3FA2]  }
0x29: {  	s4 =	sld [smem:$0x3FA4]  }
0x2a: {  	p0 =	seq.s32 s5, $0x0;
	s5 =	sld [smem:$0x3FA5]  }
0x2b: {  	s6 =	sld [smem:$0x3FA6]  }
0x2c: {  	s7 =	sld [smem:$0x3FA7]  }
0x2d: {  	s3 =	simm.s32 $0x108;
	s8 =	sld [smem:$0x3FA8]  }
0x2e: {  	s3 =	simm.s32 @!p0 $0x1082;
	s9 =	sld [smem:$0x3FA9]  }
0x2f: {  	lr =	sadd.s32 s0, s3;
	s0 =	sld [smem:$0x3FA0]  }
0x30: {  	s3 =	sld [smem:$0x3FA3]  }
0x31: {  	[smem:$0x3FAC] =	sst s10  }
0x32: {  	s10 =	sld [smem:$0x3FAA];
	_ =	sdelay $0x3  }
0x33: {  	p0 =	seq.s32 s10, $0x1;
	s10 =	sld [smem:$0x3FAC];
	_ =	sdelay $0x3  }
0x34: {  	[smem:$0x3FAC] =	sst s10  }
0x35: {  	s10 =	sld [smem:$0x3FAB];
	_ =	sdelay $0x3  }
0x36: {  	p1 =	seq.s32 s10, $0x1;
	s10 =	sld [smem:$0x3FAC];
	_ =	sdelay $0x3  }
0x37: {  	[smem:$0x3FAC] =	sst s10  }
0x38: {  	s10 =	sld [smem:$0x3FAD]  }
0x39: {  	_ = 	snop;
	(pc) =	sbr.ind lr, $3  }
0x3a: {  	_ = 	snop  }
0x3b: {  	_ = 	snop  }
0x3c: {  	p2 =	seq.s32 s10, $0x1;
	s10 =	sld [smem:$0x3FAC]  }
0x3d: {  	_ =	shalt  }
0x3e: {  	_ =	shalt  }
0x3f: {  	_ =	shalt  }
0x40: {  	_ =	shalt  }
0x41: {  	_ =	shalt  }
0x42: {  	_ =	shalt  }
0x43: {  	_ =	shalt  }
0x44: {  	_ =	shalt  }
0x45: {  	_ =	shalt  }
0x46: {  	_ =	shalt  }
0x47: {  	_ =	shalt  }
0x48: {  	_ =	shalt  }
0x49: {  	_ =	shalt  }
0x4a: {  	_ =	shalt  }
0x4b: {  	_ =	shalt  }
0x4c: {  	_ =	shalt  }
0x4d: {  	_ =	shalt  }
0x4e: {  	_ =	shalt  }
0x4f: {  	_ =	shalt  }
0x50: {  	_ =	shalt  }
0x51: {  	_ =	shalt  }
0x52: {  	_ =	shalt  }
0x53: {  	_ =	shalt  }
0x54: {  	_ =	shalt  }
0x55: {  	_ =	shalt  }
0x56: {  	_ =	shalt  }
0x57: {  	_ =	shalt  }
0x58: {  	_ =	shalt  }
0x59: {  	_ =	shalt  }
0x5a: {  	_ =	shalt  }
0x5b: {  	_ =	shalt  }
0x5c: {  	_ =	shalt  }
0x5d: {  	_ =	shalt  }
0x5e: {  	_ =	shalt  }
0x5f: {  	_ =	shalt  }
0x60: {  	_ =	shalt  }
0x61: {  	_ =	shalt  }
0x62: {  	_ =	shalt  }
0x63: {  	_ =	shalt  }
0x64: {  	_ =	shalt  }
0x65: {  	_ =	shalt  }
0x66: {  	_ =	shalt  }
0x67: {  	_ =	shalt  }
0x68: {  	_ =	shalt  }
0x69: {  	_ =	shalt  }
0x6a: {  	_ =	shalt  }
0x6b: {  	_ =	shalt  }
0x6c: {  	_ =	shalt  }
0x6d: {  	_ =	shalt  }
0x6e: {  	_ =	shalt  }
0x6f: {  	_ =	shalt  }
0x70: {  	_ =	shalt  }
0x71: {  	_ =	shalt  }
0x72: {  	_ =	shalt  }
0x73: {  	_ =	shalt  }
0x74: {  	_ =	shalt  }
0x75: {  	_ =	shalt  }
0x76: {  	_ =	shalt  }
0x77: {  	_ =	shalt  }
0x78: {  	_ =	shalt  }
0x79: {  	_ =	shalt  }
0x7a: {  	_ =	shalt  }
0x7b: {  	_ =	shalt  }
0x7c: {  	_ =	shalt  }
0x7d: {  	_ =	shalt  }
0x7e: {  	_ =	shalt  }
0x7f: {  	_ =	shalt  }
0x80: {  	_ =	shalt  }
0x81: {  	_ =	shalt  }
0x82: {  	_ =	shalt  }
0x83: {  	_ =	shalt  }
0x84: {  	_ =	shalt  }
0x85: {  	_ =	shalt  }
0x86: {  	_ =	shalt  }
0x87: {  	_ =	shalt  }
.Lfunc_end0:
.L_simem_size_0:
called_computation_lowered:
.L_overlay_start_0:
0x88: {  	s2 =	sld [smem:$0x3FD9]  }
0x89: {  	s3 =	sld [smem:$0x3FFE];
	_ =	sdelay $0x1  }
0x8a: {  	s1 =	srdreg.scid  }
0x8b: {  	s0 =	sand.u32 $0x1, s1  }
0x8c: {  	s17 =	sshll.u32 s0, $0xA;
	s2 =	sadd.s32 s3, s2  }
0x8d: {  	s2 =	sadd.s32 s2, s17  }
0x8e: {  	[smem:$0x3FB8] =	sst s2  }
0x8f: {  	_ = 	snop  }
0x90: {  	s2 =	sld [smem:$0x3FD0];
	(tm) =	ssettm $0x1  }
0x91: {  	s18 =	sld [smem:$0x3FFB];
	_ =	sdelay $0x3  }
0x92: {  	_ =	strace s18  }
0x93: {  	s3 =	sld [smem:$0x3FFC];
	_ =	sdelay $0x3  }
0x94: {  	_ =	strace s3  }
0x95: {  	s3 =	sld [smem:$0x3FFD];
	_ =	sdelay $0x3  }
0x96: {  	_ =	strace s3  }
0x97: {  	_ =	strace $0x8FFFFFFF  }
0x98: {  	s19 =	sld [smem:$0x3FDB];
	_ =	sdelay $0x1  }
0x99: {  	s4 =	simm.s32 $_scs_section_size  }
0x9a: {  	s5 =	simm.s32 $_size__tile_overlayer_lowered;
	s6 =	simm.s32 $_tile_overlayer_lowered  }
0x9b: {  	s22 =	simm.s32 $0x1BFF;
	s21 =	sshll.u32 s6, $0x1;
	s3 =	sadd.s32 s4, s19  }
0x9c: {  	s7 =	simm.s32 $0x0;
	s20 =	sshll.u32 s5, $0x1;
	s5 =	sadd.s32 s21, s3  }
0x9d: {  	[timem:s7], [sflag:s22] =	dma.local [hbm:s5], s20  }
0x9e: {  	_ =	swait.ge [sflag:s22], s20  }
0x9f: {  	s4 =	ssub.s32 $0x0, s20;
	[sflag:s22] =	ssyncset.done $0x0  }
0xa0: {  	[sflag:s22] =	ssyncadd.s32 s4;
	_ =	sdelay $0x1  }
0xa1: {  	s23 =	simm.s32 $0x1B8B  }
0xa2: {  	_ =	swait.ge [sflag:s23], $0x1  }
0xa3: {  	[sflag:s23] =	ssyncset.done $0x0  }
0xa4: {  	s25 =	simm.s32 $0x1B8E;
	s24 =	sld [smem:$0x3FFE];
	[sflag:s23] =	ssyncadd.s32 $0xFFFFFFFF  }
0xa5: {  	s26 =	simm.s32 $execute0_lowered;
	[smem:$0x3FD2] =	sst s25  }
0xa6: {  	s5 =	sshll.u32 s26, $0x1;
	_ =	strace $0x80000046;
	[dreg:$0x1] =	wrdreg $0xFFFFFFFF  }
0xa7: {  	s28 =	simm.s32 $_size_execute0_lowered;
	s3 =	sadd.s32 s3, s5;
	[dreg:$0x0] =	wrdreg $0x0  }
0xa8: {  	s5 =	sshll.u32 s28, $0x1;
	[dreg:$0x2] =	wrdreg s3  }
0xa9: {  	[dreg:$0x3] =	wrdreg s5  }
0xaa: {  	[dreg:$0x4] =	wrdreg $0xC0  }
0xab: {  	_ =	task [dreg:s7], $0x5FFFF  }
0xac: {  	[dreg:$0x1] =	wrdreg $0xFFFFFFFF  }
0xad: {  	[dreg:$0x0] =	wrdreg $0x60  }
0xae: {  	[dreg:$0x2] =	wrdreg s2  }
0xaf: {  	[dreg:$0x3] =	wrdreg s24  }
0xb0: {  	[dreg:$0x4] =	wrdreg $0x9  }
0xb1: {  	_ =	task.clear_ibuf [dreg:s7], $0x5FFFF;
	_ =	strace $0x90000046  }
0xb2: {  	s29 =	simm.s32 $0x9;
	_ =	strace $0x80000048  }
0xb3: {  	_ =	swait.ge [sflag:s29], $0x1  }
0xb4: {  	[sflag:s29] =	ssyncadd.s32 $0xFFFFFFFF  }
0xb5: {  	_ =	strace $0x90000048  }
0xb6: {  	_ =	sfence  }
0xb7: {  	s30 =	sld [smem:$0x0];
	_ =	sdelay $0x2  }
0xb8: {  	s31 =	sshll.u32 s1, $0xD;
	s1 =	sshrl.u32 s1, $0x2  }
0xb9: {  	s3 =	sand.u32 $0x4000, s31;
	s1 =	sadd.s32 s1, s30  }
0xba: {  	s0 =	sor.u32 s3, s0;
	s1 =	sshll.u32 s1, $0x11  }
0xbb: {  	s0 =	sor.u32 s1, s0  }
0xbc: {  	s0 =	sadd.s32 $0x8F2B, s0  }
0xbd: {  	[sflag:s0] =	ssyncadd.remote.s32 $0x1  }
0xbe: {  	_ =	sfence.sel $0xFFFF  }
0xbf: {  	[dreg:$0x0] =	wrdreg $0xFFFFFFFF;
	(pc) =	sbr.abs _section_cstart, $3  }
0xc0: {  	[dreg:$0x1] =	wrdreg $0xFFFFFFFF  }
0xc1: {  	_ =	task.clear_ibuf [dreg:s7], $0x2FFFF;
	_ =	strace $0x9FFFFFFF  }
0xc2: {  	(tm) =	ssettm $0x7FFFFFFF  }
0xc3: {  	_ =	shalt  }
tec
execute0_lowered:
.L_overlay_start_1:
0x0: {  	(tag) =	ssettag $0x1  }
0x1: {  	s1 =	srdreg.scid  }
0x2: {  	s0 =	stileid.u32;
	s1 =	sand.u32 $0x1, s1  }
0x3: {  	s3 =	rddreg [dreg:$0x0];
	s2 =	sshll.u32 s0, $0x5;
	s4 =	sshll.u32 s1, $0x4  }
0x4: {  	s5 =	rddreg [dreg:$0x1];
	s4 =	sor.u32 s4, s2;
	s2 =	simm.s32 $0x0  }
0x5: {  	s25 =	simm.s32 $0x880;
	[smem:$0x7FF] =	sst s2  }
0x6: {  	s26 =	simm.s32 $0x1080;
	_ =	strace $0x80000047;
	[dreg:$0x5] =	wrdreg s25  }
0x7: {  	s0 =	simm.s32 $0x1880;
	[dreg:$0x6] =	wrdreg s26  }
0x8: {  	s7 =	simm.s32 $0x3080;
	[dreg:$0x7] =	wrdreg s0  }
0x9: {  	s8 =	simm.s32 $0x3880;
	[dreg:$0xa] =	wrdreg s7  }
0xa: {  	s9 =	simm.s32 $0x4080;
	[dreg:$0xb] =	wrdreg s8  }
0xb: {  	s10 =	simm.s32 $0x4880;
	[dreg:$0xc] =	wrdreg s9  }
0xc: {  	s11 =	simm.s32 $0x5080;
	s12 =	simm.s32 $0x5880;
	[dreg:$0xd] =	wrdreg s10  }
0xd: {  	s13 =	simm.s32 $0x6080;
	s14 =	simm.s32 $0x6880;
	[dreg:$0xe] =	wrdreg s11  }
0xe: {  	s15 =	simm.s32 $0x7080;
	s16 =	simm.s32 $0x7880;
	[dreg:$0xf] =	wrdreg s12  }
0xf: {  	s17 =	simm.s32 $0x8080;
	s18 =	simm.s32 $0x8880;
	[dreg:$0x10] =	wrdreg s13  }
0x10: {  	s19 =	simm.s32 $0x9080;
	s21 =	simm.s32 $0x9880;
	[dreg:$0x11] =	wrdreg s14  }
0x11: {  	s22 =	simm.s32 $0xA080;
	s23 =	simm.s32 $0xA880;
	[dreg:$0x12] =	wrdreg s15  }
0x12: {  	s24 =	simm.s32 $0xB880;
	s28 =	simm.s32 $0x16080;
	[dreg:$0x13] =	wrdreg s16  }
0x13: {  	s29 =	simm.s32 $0x16880;
	s30 =	simm.s32 $0x17080;
	[dreg:$0x14] =	wrdreg s17  }
0x14: {  	s31 =	simm.s32 $0x17880;
	s1 =	ssub.s32 $0x2, s1;
	[dreg:$0x15] =	wrdreg s18  }
0x15: {  	s20 =	sshrl.u32 s1, $0x1;
	s6 =	sand.u32 $0xF0, s4;
	[dreg:$0x16] =	wrdreg s19  }
0x16: {  	s4 =	sadd.s32 s4, s5;
	s1 =	ssub.s32 s1, s20;
	[dreg:$0x17] =	wrdreg s21  }
0x17: {  	s20 =	simm.s32 $0x12880;
	s6 =	smul.u32 $0x300, s6;
	[dreg:$0x18] =	wrdreg s22  }
0x18: {  	s4 =	sadd.s32 $0x3200, s4;
	[dreg:$0x19] =	wrdreg s23;
	s7 =	simm.s32 $0xB080  }
0x19: {  	[dreg:$0x1b] =	wrdreg s24;
	s25 =	simm.s32 $0xC080;
	s8 =	simm.s32 $0x80  }
0x1a: {  	s26 =	simm.s32 $0xC880;
	s10 =	simm.s32 $0xD880;
	s11 =	simm.s32 $0xE080  }
0x1b: {  	s12 =	simm.s32 $0xE880;
	s13 =	simm.s32 $0xF080;
	s14 =	simm.s32 $0xF880  }
0x1c: {  	s15 =	simm.s32 $0x10080;
	s16 =	simm.s32 $0x10880;
	s17 =	simm.s32 $0x11080  }
0x1d: {  	s18 =	simm.s32 $0x11880;
	s19 =	simm.s32 $0x12080;
	[dreg:$0x3] =	wrdreg s4  }
0x1e: {  	s21 =	simm.s32 $0x13080;
	s22 =	simm.s32 $0x13880;
	[dreg:$0x1a] =	wrdreg s7  }
0x1f: {  	s23 =	simm.s32 $0x14080;
	s24 =	simm.s32 $0x14880;
	[dreg:$0x1c] =	wrdreg s25  }
0x20: {  	s4 =	simm.s32 $0x2080;
	s7 =	simm.s32 $0x2;
	[dreg:$0x1d] =	wrdreg s26  }
0x21: {  	s25 =	simm.s32 $0x15080;
	s3 =	sadd.s32 s3, s6;
	[dreg:$0x8] =	wrdreg s4  }
0x22: {  	v2 =	vlaneseq.u32;
	s26 =	simm.s32 $0x15880;
	s6 =	simm.s32 $0x2880;
	[dreg:$0x4] =	wrdreg s3  }
0x23: {  	vm0 =	vmmov $0xffff;
	v1 =	vshrl.u32 v2, $0x3;
	s4 =	sadd.s32 $0x3500, s5;
	[dreg:$0x9] =	wrdreg s6;
	s3 =	sadd.s32 $0x3400, s5  }
0x24: {  	v0 =	vand.u32 $0x7, v2;
	v2 =	vor.u32 $0x8, v2;
	v1 =	vmul.u32 $0x8, v1;
	s5 =	sadd.s32 $0x3600, s5;
	s6 =	smax.u32 s1, $0x1;
	s1 =	simm.s32 $0x1  }
.LBB2_1:
0x25: {  	s0 =	rddreg [dreg:$0x3]  }
0x26: {  	[tilespmem:s2], [sflag:$0x2] =	stream.linear.gather [hbm4b:s0+s2], $0x80, $0x38;
	[tilespmem:$0x18080] =	vst v63  }
0x27: {  	_ =	swait.ge [sflag:s7], $0x80  }
0x28: {  	[sflag:s7] =	ssyncset.done $0x0  }
0x29: {  	s9 =	rddreg [dreg:$0x4];
	[sflag:s7] =	ssyncadd.s32 $0xFFFFFF80  }
0x2a: {  	[tilespmem:s8], [sflag:$0x2] =	stream.linear.gather [hbm4b:s9+s2], $0x18000, $0x38;
	[tilespmem:$0x18080] =	vst v63  }
0x2b: {  	_ =	swait.ge [sflag:s7], $0x18000  }
0x2c: {  	[sflag:s7] =	ssyncset.done $0x0  }
0x2d: {  	[sflag:s7] =	ssyncadd.s32 $0xFFFE8000  }
0x2e: {  	v3 =	vld [tilespmem:$0x0];
	_ =	sdelay $0x4  }
0x2f: {  	v4 =	vshrl.u32 v3, $0x3  }
0x30: {  	v4 =	vmul.u32 $0x30, v4  }
0x31: {  	v3 =	vand.u32 $0x7, v3  }
0x32: {  	v3 =	vor.u32 v3, v4  }
0x33: {  	v4 =	vperm.xlane v3, v0;
	_ =	sdelay $0x1  }
0x34: {  	v4 =	vadd.s32 v1, v4;
	_ =	sdelay $0x3  }
0x35: {  	v3 =	vperm.xlane v3, v2  }
0x36: {  	[hbm4b:s3+s2] =	stream.indirect_vreg.scatter [tilespmem:s8], [sflag:$0x1], $0x80, v4, vm0, $0xb8;
	[tilespmem:$0x18080] =	vst v63  }
0x37: {  	s0 =	rddreg [dreg:$0x5];
	v3 =	vadd.s32 v1, v3  }
0x38: {  	[hbm4b:s4+s2] =	stream.indirect_vreg.scatter [tilespmem:s0], [sflag:$0x1], $0x80, v4, vm0, $0xb8;
	[tilespmem:$0x18080] =	vst v63  }
0x39: {  	s9 =	rddreg [dreg:$0x6]  }
0x3a: {  	[hbm4b:s5+s2] =	stream.indirect_vreg.scatter [tilespmem:s9], [sflag:$0x1], $0x80, v4, vm0, $0xb8;
	[tilespmem:$0x18080] =	vst v63  }
0x3b: {  	s0 =	rddreg [dreg:$0x7]  }
0x3c: {  	[hbm4b:s3+s2] =	stream.indirect_vreg.scatter [tilespmem:s0], [sflag:$0x1], $0x80, v3, vm0, $0xb8;
	[tilespmem:$0x18080] =	vst v63  }
0x3d: {  	s9 =	rddreg [dreg:$0x8]  }
0x3e: {  	[hbm4b:s4+s2] =	stream.indirect_vreg.scatter [tilespmem:s9], [sflag:$0x1], $0x80, v3, vm0, $0xb8;
	[tilespmem:$0x18080] =	vst v63  }
0x3f: {  	s0 =	rddreg [dreg:$0x9]  }
0x40: {  	[hbm4b:s5+s2] =	stream.indirect_vreg.scatter [tilespmem:s0], [sflag:$0x1], $0x80, v3, vm0, $0xb8;
	[tilespmem:$0x18080] =	vst v63  }
0x41: {  	v3 =	vld [tilespmem:$0x10];
	_ =	sdelay $0x4  }
0x42: {  	v57 =	vshrl.u32 v3, $0x3  }
0x43: {  	v4 =	vmul.u32 $0x30, v57  }
0x44: {  	v3 =	vand.u32 $0x7, v3  }
0x45: {  	v3 =	vor.u32 v3, v4  }
0x46: {  	v4 =	vperm.xlane v3, v0;
	_ =	sdelay $0x1  }
0x47: {  	v4 =	vadd.s32 v1, v4;
	_ =	sdelay $0x3  }
0x48: {  	s0 =	rddreg [dreg:$0xa];
	v3 =	vperm.xlane v3, v2  }
0x49: {  	[hbm4b:s3+s2] =	stream.indirect_vreg.scatter [tilespmem:s0], [sflag:$0x1], $0x80, v4, vm0, $0xb8;
	[tilespmem:$0x18080] =	vst v63  }
0x4a: {  	s9 =	rddreg [dreg:$0xb];
	v3 =	vadd.s32 v1, v3  }
0x4b: {  	[hbm4b:s4+s2] =	stream.indirect_vreg.scatter [tilespmem:s9], [sflag:$0x1], $0x80, v4, vm0, $0xb8;
	[tilespmem:$0x18080] =	vst v63  }
0x4c: {  	s0 =	rddreg [dreg:$0xc]  }
0x4d: {  	[hbm4b:s5+s2] =	stream.indirect_vreg.scatter [tilespmem:s0], [sflag:$0x1], $0x80, v4, vm0, $0xb8;
	[tilespmem:$0x18080] =	vst v63  }
0x4e: {  	s9 =	rddreg [dreg:$0xd]  }
0x4f: {  	[hbm4b:s3+s2] =	stream.indirect_vreg.scatter [tilespmem:s9], [sflag:$0x1], $0x80, v3, vm0, $0xb8;
	[tilespmem:$0x18080] =	vst v63  }
0x50: {  	s0 =	rddreg [dreg:$0xe]  }
0x51: {  	[hbm4b:s4+s2] =	stream.indirect_vreg.scatter [tilespmem:s0], [sflag:$0x1], $0x80, v3, vm0, $0xb8;
	[tilespmem:$0x18080] =	vst v63  }
0x52: {  	s9 =	rddreg [dreg:$0xf]  }
0x53: {  	[hbm4b:s5+s2] =	stream.indirect_vreg.scatter [tilespmem:s9], [sflag:$0x1], $0x80, v3, vm0, $0xb8;
	[tilespmem:$0x18080] =	vst v63  }
0x54: {  	v3 =	vld [tilespmem:$0x20];
	_ =	sdelay $0x4  }
0x55: {  	v58 =	vshrl.u32 v3, $0x3  }
0x56: {  	v4 =	vmul.u32 $0x30, v58  }
0x57: {  	v3 =	vand.u32 $0x7, v3  }
0x58: {  	v3 =	vor.u32 v3, v4  }
0x59: {  	v4 =	vperm.xlane v3, v0;
	_ =	sdelay $0x1  }
0x5a: {  	v4 =	vadd.s32 v1, v4;
	_ =	sdelay $0x3  }
0x5b: {  	s0 =	rddreg [dreg:$0x10];
	v3 =	vperm.xlane v3, v2  }
0x5c: {  	[hbm4b:s3+s2] =	stream.indirect_vreg.scatter [tilespmem:s0], [sflag:$0x1], $0x80, v4, vm0, $0xb8;
	[tilespmem:$0x18080] =	vst v63  }
0x5d: {  	s9 =	rddreg [dreg:$0x11];
	v3 =	vadd.s32 v1, v3  }
0x5e: {  	[hbm4b:s4+s2] =	stream.indirect_vreg.scatter [tilespmem:s9], [sflag:$0x1], $0x80, v4, vm0, $0xb8;
	[tilespmem:$0x18080] =	vst v63  }
0x5f: {  	s0 =	rddreg [dreg:$0x12]  }
0x60: {  	[hbm4b:s5+s2] =	stream.indirect_vreg.scatter [tilespmem:s0], [sflag:$0x1], $0x80, v4, vm0, $0xb8;
	[tilespmem:$0x18080] =	vst v63  }
0x61: {  	s9 =	rddreg [dreg:$0x13]  }
0x62: {  	[hbm4b:s3+s2] =	stream.indirect_vreg.scatter [tilespmem:s9], [sflag:$0x1], $0x80, v3, vm0, $0xb8;
	[tilespmem:$0x18080] =	vst v63  }
0x63: {  	s0 =	rddreg [dreg:$0x14]  }
0x64: {  	[hbm4b:s4+s2] =	stream.indirect_vreg.scatter [tilespmem:s0], [sflag:$0x1], $0x80, v3, vm0, $0xb8;
	[tilespmem:$0x18080] =	vst v63  }
0x65: {  	s9 =	rddreg [dreg:$0x15]  }
0x66: {  	[hbm4b:s5+s2] =	stream.indirect_vreg.scatter [tilespmem:s9], [sflag:$0x1], $0x80, v3, vm0, $0xb8;
	[tilespmem:$0x18080] =	vst v63  }
0x67: {  	v3 =	vld [tilespmem:$0x30];
	_ =	sdelay $0x4  }
0x68: {  	v59 =	vshrl.u32 v3, $0x3  }
0x69: {  	v4 =	vmul.u32 $0x30, v59  }
0x6a: {  	v3 =	vand.u32 $0x7, v3  }
0x6b: {  	v3 =	vor.u32 v3, v4  }
0x6c: {  	v4 =	vperm.xlane v3, v0;
	_ =	sdelay $0x1  }
0x6d: {  	v4 =	vadd.s32 v1, v4;
	_ =	sdelay $0x3  }
0x6e: {  	s0 =	rddreg [dreg:$0x16];
	v3 =	vperm.xlane v3, v2  }
0x6f: {  	[hbm4b:s3+s2] =	stream.indirect_vreg.scatter [tilespmem:s0], [sflag:$0x1], $0x80, v4, vm0, $0xb8;
	[tilespmem:$0x18080] =	vst v63  }
0x70: {  	s9 =	rddreg [dreg:$0x17];
	v3 =	vadd.s32 v1, v3  }
0x71: {  	[hbm4b:s4+s2] =	stream.indirect_vreg.scatter [tilespmem:s9], [sflag:$0x1], $0x80, v4, vm0, $0xb8;
	[tilespmem:$0x18080] =	vst v63  }
0x72: {  	s0 =	rddreg [dreg:$0x18]  }
0x73: {  	[hbm4b:s5+s2] =	stream.indirect_vreg.scatter [tilespmem:s0], [sflag:$0x1], $0x80, v4, vm0, $0xb8;
	[tilespmem:$0x18080] =	vst v63  }
0x74: {  	s9 =	rddreg [dreg:$0x19]  }
0x75: {  	[hbm4b:s3+s2] =	stream.indirect_vreg.scatter [tilespmem:s9], [sflag:$0x1], $0x80, v3, vm0, $0xb8;
	[tilespmem:$0x18080] =	vst v63  }
0x76: {  	s0 =	rddreg [dreg:$0x1a]  }
0x77: {  	[hbm4b:s4+s2] =	stream.indirect_vreg.scatter [tilespmem:s0], [sflag:$0x1], $0x80, v3, vm0, $0xb8;
	[tilespmem:$0x18080] =	vst v63  }
0x78: {  	s9 =	rddreg [dreg:$0x1b]  }
0x79: {  	[hbm4b:s5+s2] =	stream.indirect_vreg.scatter [tilespmem:s9], [sflag:$0x1], $0x80, v3, vm0, $0xb8;
	[tilespmem:$0x18080] =	vst v63  }
0x7a: {  	v3 =	vld [tilespmem:$0x40];
	_ =	sdelay $0x4  }
0x7b: {  	v60 =	vshrl.u32 v3, $0x3  }
0x7c: {  	v4 =	vmul.u32 $0x30, v60  }
0x7d: {  	v3 =	vand.u32 $0x7, v3  }
0x7e: {  	v3 =	vor.u32 v3, v4  }
0x7f: {  	v4 =	vperm.xlane v3, v0;
	_ =	sdelay $0x1  }
0x80: {  	v4 =	vadd.s32 v1, v4;
	_ =	sdelay $0x3  }
0x81: {  	s0 =	rddreg [dreg:$0x1c];
	v3 =	vperm.xlane v3, v2  }
0x82: {  	[hbm4b:s3+s2] =	stream.indirect_vreg.scatter [tilespmem:s0], [sflag:$0x1], $0x80, v4, vm0, $0xb8;
	[tilespmem:$0x18080] =	vst v63  }
0x83: {  	s9 =	rddreg [dreg:$0x1d];
	v3 =	vadd.s32 v1, v3  }
0x84: {  	[hbm4b:s4+s2] =	stream.indirect_vreg.scatter [tilespmem:s9], [sflag:$0x1], $0x80, v4, vm0, $0xb8;
	[tilespmem:$0x18080] =	vst v63  }
0x85: {  	s9 =	simm.s32 $0xD080  }
0x86: {  	[hbm4b:s5+s2] =	stream.indirect_vreg.scatter [tilespmem:s9], [sflag:$0x1], $0x80, v4, vm0, $0xb8;
	[tilespmem:$0x18080] =	vst v63  }
0x87: {  	_ = 	snop  }
0x88: {  	[hbm4b:s3+s2] =	stream.indirect_vreg.scatter [tilespmem:s10], [sflag:$0x1], $0x80, v3, vm0, $0xb8;
	[tilespmem:$0x18080] =	vst v63  }
0x89: {  	_ = 	snop  }
0x8a: {  	[hbm4b:s4+s2] =	stream.indirect_vreg.scatter [tilespmem:s11], [sflag:$0x1], $0x80, v3, vm0, $0xb8;
	[tilespmem:$0x18080] =	vst v63  }
0x8b: {  	_ = 	snop  }
0x8c: {  	[hbm4b:s5+s2] =	stream.indirect_vreg.scatter [tilespmem:s12], [sflag:$0x1], $0x80, v3, vm0, $0xb8;
	[tilespmem:$0x18080] =	vst v63  }
0x8d: {  	v3 =	vld [tilespmem:$0x50];
	_ =	sdelay $0x4  }
0x8e: {  	v61 =	vshrl.u32 v3, $0x3  }
0x8f: {  	v4 =	vmul.u32 $0x30, v61  }
0x90: {  	v3 =	vand.u32 $0x7, v3  }
0x91: {  	v3 =	vor.u32 v3, v4  }
0x92: {  	v4 =	vperm.xlane v3, v0;
	_ =	sdelay $0x1  }
0x93: {  	v4 =	vadd.s32 v1, v4;
	_ =	sdelay $0x3  }
0x94: {  	v3 =	vperm.xlane v3, v2  }
0x95: {  	[hbm4b:s3+s2] =	stream.indirect_vreg.scatter [tilespmem:s13], [sflag:$0x1], $0x80, v4, vm0, $0xb8;
	[tilespmem:$0x18080] =	vst v63  }
0x96: {  	v3 =	vadd.s32 v1, v3  }
0x97: {  	[hbm4b:s4+s2] =	stream.indirect_vreg.scatter [tilespmem:s14], [sflag:$0x1], $0x80, v4, vm0, $0xb8;
	[tilespmem:$0x18080] =	vst v63  }
0x98: {  	_ = 	snop  }
0x99: {  	[hbm4b:s5+s2] =	stream.indirect_vreg.scatter [tilespmem:s15], [sflag:$0x1], $0x80, v4, vm0, $0xb8;
	[tilespmem:$0x18080] =	vst v63  }
0x9a: {  	_ = 	snop  }
0x9b: {  	[hbm4b:s3+s2] =	stream.indirect_vreg.scatter [tilespmem:s16], [sflag:$0x1], $0x80, v3, vm0, $0xb8;
	[tilespmem:$0x18080] =	vst v63  }
0x9c: {  	_ = 	snop  }
0x9d: {  	[hbm4b:s4+s2] =	stream.indirect_vreg.scatter [tilespmem:s17], [sflag:$0x1], $0x80, v3, vm0, $0xb8;
	[tilespmem:$0x18080] =	vst v63  }
0x9e: {  	_ = 	snop  }
0x9f: {  	[hbm4b:s5+s2] =	stream.indirect_vreg.scatter [tilespmem:s18], [sflag:$0x1], $0x80, v3, vm0, $0xb8;
	[tilespmem:$0x18080] =	vst v63  }
0xa0: {  	v3 =	vld [tilespmem:$0x60];
	_ =	sdelay $0x4  }
0xa1: {  	v62 =	vshrl.u32 v3, $0x3  }
0xa2: {  	v4 =	vmul.u32 $0x30, v62  }
0xa3: {  	v3 =	vand.u32 $0x7, v3  }
0xa4: {  	v3 =	vor.u32 v3, v4  }
0xa5: {  	v4 =	vperm.xlane v3, v0;
	_ =	sdelay $0x1  }
0xa6: {  	v4 =	vadd.s32 v1, v4;
	_ =	sdelay $0x3  }
0xa7: {  	v3 =	vperm.xlane v3, v2  }
0xa8: {  	[hbm4b:s3+s2] =	stream.indirect_vreg.scatter [tilespmem:s19], [sflag:$0x1], $0x80, v4, vm0, $0xb8;
	[tilespmem:$0x18080] =	vst v63  }
0xa9: {  	v3 =	vadd.s32 v1, v3  }
0xaa: {  	[hbm4b:s4+s2] =	stream.indirect_vreg.scatter [tilespmem:s20], [sflag:$0x1], $0x80, v4, vm0, $0xb8;
	[tilespmem:$0x18080] =	vst v63  }
0xab: {  	_ = 	snop  }
0xac: {  	[hbm4b:s5+s2] =	stream.indirect_vreg.scatter [tilespmem:s21], [sflag:$0x1], $0x80, v4, vm0, $0xb8;
	[tilespmem:$0x18080] =	vst v63  }
0xad: {  	_ = 	snop  }
0xae: {  	[hbm4b:s3+s2] =	stream.indirect_vreg.scatter [tilespmem:s22], [sflag:$0x1], $0x80, v3, vm0, $0xb8;
	[tilespmem:$0x18080] =	vst v63  }
0xaf: {  	_ = 	snop  }
0xb0: {  	[hbm4b:s4+s2] =	stream.indirect_vreg.scatter [tilespmem:s23], [sflag:$0x1], $0x80, v3, vm0, $0xb8;
	[tilespmem:$0x18080] =	vst v63  }
0xb1: {  	_ = 	snop  }
0xb2: {  	[hbm4b:s5+s2] =	stream.indirect_vreg.scatter [tilespmem:s24], [sflag:$0x1], $0x80, v3, vm0, $0xb8;
	[tilespmem:$0x18080] =	vst v63  }
0xb3: {  	v3 =	vld [tilespmem:$0x70];
	_ =	sdelay $0x4  }
0xb4: {  	v63 =	vshrl.u32 v3, $0x3  }
0xb5: {  	v4 =	vmul.u32 $0x30, v63  }
0xb6: {  	v3 =	vand.u32 $0x7, v3  }
0xb7: {  	v3 =	vor.u32 v3, v4  }
0xb8: {  	v4 =	vperm.xlane v3, v0;
	_ =	sdelay $0x1  }
0xb9: {  	v4 =	vadd.s32 v1, v4;
	_ =	sdelay $0x3  }
0xba: {  	v3 =	vperm.xlane v3, v2  }
0xbb: {  	[hbm4b:s3+s2] =	stream.indirect_vreg.scatter [tilespmem:s25], [sflag:$0x1], $0x80, v4, vm0, $0xb8;
	[tilespmem:$0x18080] =	vst v63  }
0xbc: {  	v3 =	vadd.s32 v1, v3  }
0xbd: {  	[hbm4b:s4+s2] =	stream.indirect_vreg.scatter [tilespmem:s26], [sflag:$0x1], $0x80, v4, vm0, $0xb8;
	[tilespmem:$0x18080] =	vst v63  }
0xbe: {  	_ = 	snop  }
0xbf: {  	[hbm4b:s5+s2] =	stream.indirect_vreg.scatter [tilespmem:s28], [sflag:$0x1], $0x80, v4, vm0, $0xb8;
	[tilespmem:$0x18080] =	vst v63  }
0xc0: {  	_ = 	snop  }
0xc1: {  	[hbm4b:s3+s2] =	stream.indirect_vreg.scatter [tilespmem:s29], [sflag:$0x1], $0x80, v3, vm0, $0xb8;
	[tilespmem:$0x18080] =	vst v63  }
0xc2: {  	p0 =	sne.s32 s6, $0x1  }
0xc3: {  	[hbm4b:s4+s2] =	stream.indirect_vreg.scatter [tilespmem:s30], [sflag:$0x1], $0x80, v3, vm0, $0xb8;
	[tilespmem:$0x18080] =	vst v63  }
.Ltmp0:
0xc4: {  	_ = 	snop;
	(pc) =	sbr.rel @p0 .LBB2_1-.Ltmp0, $4  }
0xc5: {  	[hbm4b:s5+s2] =	stream.indirect_vreg.scatter [tilespmem:s31], [sflag:$0x1], $0x80, v3, vm0, $0xb8;
	[tilespmem:$0x18080] =	vst v63  }
0xc6: {  	_ =	swait.ge [sflag:s1], $0x18000  }
0xc7: {  	[sflag:s1] =	ssyncset.done $0x0  }
0xc8: {  	s6 =	sadd.s32 $0xFFFFFFFF, s6;
	[sflag:s1] =	ssyncadd.s32 $0xFFFE8000  }
0xc9: {  	_ =	sfence.sel $0x180000  }
0xca: {  	[bflag:$0x0] =	sbarrier.arrive $0xFFFF  }
0xcb: {  	_ =	strace $0x90000047  }
0xcc: {  	s0 =	stileid.u32;
	[bflag:$0x2] =	sbarrier.arrive $0xFFFF  }
0xcd: {  	p0 =	sne.s32 s0, $0x0;
	s0 =	rddreg [dreg:$0x2]  }
0xce: {  	s0 =	sadd.s32 @!p0 $0x100000, s0  }
0xcf: {  	[sflag:s0] =	ssyncadd.tile.s32 @!p0 $0x1;
	_ =	shalt  }
.Lfunc_end2:
_tile_overlayer_lowered:
.L_overlay_start_2:
0xd0: {  	(tag) =	ssettag $0x2  }
0xd1: {  	s0 =	rddreg [dreg:$0x0];
	s2 =	stileid.u32  }
0xd2: {  	s1 =	rddreg [dreg:$0x1];
	p0 =	sne.s32 s2, $0x0  }
0xd3: {  	s3 =	rddreg [dreg:$0x2];
	[bflag:$0x3] =	sbarrier.arrive $0xFFFF;
	s2 =	simm.s32 @!p0 $0x1C02  }
0xd4: {  	[timem:s3], [sflag:s2] =	dma.local @!p0 [hbm:s0], s1  }
0xd5: {  	s0 =	simm.s32 @!p0 $0x2  }
0xd6: {  	_ =	swait.ge @!p0 [sflag:s0], s1  }
0xd7: {  	s1 =	ssub.s32 @!p0 $0x0, s1;
	[sflag:s0] =	ssyncset.done @!p0 $0x0  }
0xd8: {  	[sflag:s0] =	ssyncadd.s32 @!p0 s1  }
0xd9: {  	[bflag:$0x3] =	sbarrier.arrive $0xFFFF  }
0xda: {  	_ =	shalt  }

// kernel: kernel.14.cloned.1.call-start
scs
__scs_entry_jumppad:
0x0: {  	(pc) =	sbr.rel $0x88, $3  }
0x1: {  	(tag) =	ssettag $0x0;
	lr =	simm.s32 $0x1  }
0x2: {  	[smem:$0x3F91] =	sst lr;
	_ =	strace $0xD0000000  }
0x3: {  	_ = 	snop  }
0x4: {  	_ = 	snop  }
0x5: {  	_ = 	snop  }
0x6: {  	_ = 	snop  }
0x7: {  	_ = 	snop  }
__scs_overlays_trampoline_lowered:
0x8: {  	[smem:$0x3FA0] =	sst s0  }
0x9: {  	[smem:$0x3FA1] =	sst s1  }
0xa: {  	[smem:$0x3FA2] =	sst s2  }
0xb: {  	[smem:$0x3FA3] =	sst s3  }
0xc: {  	[smem:$0x3FA4] =	sst s4  }
0xd: {  	[smem:$0x3FA5] =	sst s5  }
0xe: {  	[smem:$0x3FA6] =	sst s6  }
0xf: {  	[smem:$0x3FA7] =	sst s7  }
0x10: {  	[smem:$0x3FA8] =	sst s8  }
0x11: {  	[smem:$0x3FA9] =	sst s9;
	s0 =	simm.s32 @!p0 $0x0  }
0x12: {  	s1 =	sld [smem:$0x3F8F];
	s0 =	simm.s32 @p0 $0x1  }
0x13: {  	[smem:$0x3FAA] =	sst s0;
	s0 =	simm.s32 @!p1 $0x0  }
0x14: {  	s2 =	sld [smem:$0x3F8E];
	s0 =	simm.s32 @p1 $0x1  }
0x15: {  	[smem:$0x3FAB] =	sst s0;
	s0 =	simm.s32 @!p2 $0x0  }
0x16: {  	s3 =	sld [smem:$0x3FDB];
	s0 =	simm.s32 @p2 $0x1  }
0x17: {  	s4 =	simm.s32 $0x1BF5;
	[smem:$0x3FAD] =	sst s0  }
0x18: {  	s0 =	sld [smem:$0x3F90];
	_ =	swait.ge [sflag:s4], $0x0  }
0x19: {  	s7 =	sld [smem:$0x3F91]  }
0x1a: {  	s8 =	sadd.s32 $0xFFFFE003, lr  }
0x1b: {  	s9 =	sadd.s32 $0xFFFFFEF7, lr;
	s5 =	simm.s32 $0xFFFFFFFF;
	p2 =	slt.u32 s8, $0xFFFFF086  }
0x1c: {  	p1 =	slt.u32 s9, $0xF7A;
	s5 =	simm.s32 @!p2 $0x0  }
0x1d: {  	s5 =	simm.s32 @p1 $0x1;
	p0 =	seq.s32 s7, s2  }
0x1e: {  	s7 =	smul.u32 @!p0 $0xF7A, s2;
	p2 =	seq.s32 @!p0 s5, $0x0  }
0x1f: {  	s9 =	smul.u32 $0xF7A, s1;
	s8 =	simm.s32 @!p0 $0x1BF5;
	p2 =	por !p2, p0  }
0x20: {  	[sflag:s8] =	ssyncset.s32 @!p0 $0xFFFFF086;
	s6 =	sadd.s32 @!p0 s3, s7;
	s7 =	simm.s32 @!p0 $0x108  }
0x21: {  	s3 =	sadd.s32 s3, s9;
	s6 =	sadd.s32 @!p0 $0x88, s6;
	s7 =	simm.s32 @p2 $0x1082  }
0x22: {  	[simem:s7], [sflag:s8] =	dma.local @!p0 [hbm:s6], $0xF7A  }
0x23: {  	s9 =	sor.u32 $0xD0000000, s2;
	s6 =	simm.s32 $0x108;
	_ =	swait.ge @!p0 [sflag:s8], $0x0  }
0x24: {  	s3 =	sadd.s32 $0x88, s3;
	s6 =	simm.s32 @!p1 $0x1082;
	[sflag:s4] =	ssyncset.s32 $0xFFFFF086  }
0x25: {  	[simem:s6], [sflag:s4] =	dma.local [hbm:s3], $0xF7A  }
0x26: {  	[smem:$0x3F91] =	sst s1;
	(tag) =	ssettag s2;
	_ =	strace s9  }
0x27: {  	s1 =	sld [smem:$0x3FA1]  }
0x28: {  	s2 =	sld [smem:$0x3FA2]  }
0x29: {  	s4 =	sld [smem:$0x3FA4]  }
0x2a: {  	p0 =	seq.s32 s5, $0x0;
	s5 =	sld [smem:$0x3FA5]  }
0x2b: {  	s6 =	sld [smem:$0x3FA6]  }
0x2c: {  	s7 =	sld [smem:$0x3FA7]  }
0x2d: {  	s3 =	simm.s32 $0x108;
	s8 =	sld [smem:$0x3FA8]  }
0x2e: {  	s3 =	simm.s32 @!p0 $0x1082;
	s9 =	sld [smem:$0x3FA9]  }
0x2f: {  	lr =	sadd.s32 s0, s3;
	s0 =	sld [smem:$0x3FA0]  }
0x30: {  	s3 =	sld [smem:$0x3FA3]  }
0x31: {  	[smem:$0x3FAC] =	sst s10  }
0x32: {  	s10 =	sld [smem:$0x3FAA];
	_ =	sdelay $0x3  }
0x33: {  	p0 =	seq.s32 s10, $0x1;
	s10 =	sld [smem:$0x3FAC];
	_ =	sdelay $0x3  }
0x34: {  	[smem:$0x3FAC] =	sst s10  }
0x35: {  	s10 =	sld [smem:$0x3FAB];
	_ =	sdelay $0x3  }
0x36: {  	p1 =	seq.s32 s10, $0x1;
	s10 =	sld [smem:$0x3FAC];
	_ =	sdelay $0x3  }
0x37: {  	[smem:$0x3FAC] =	sst s10  }
0x38: {  	s10 =	sld [smem:$0x3FAD]  }
0x39: {  	_ = 	snop;
	(pc) =	sbr.ind lr, $3  }
0x3a: {  	_ = 	snop  }
0x3b: {  	_ = 	snop  }
0x3c: {  	p2 =	seq.s32 s10, $0x1;
	s10 =	sld [smem:$0x3FAC]  }
0x3d: {  	_ =	shalt  }
0x3e: {  	_ =	shalt  }
0x3f: {  	_ =	shalt  }
0x40: {  	_ =	shalt  }
0x41: {  	_ =	shalt  }
0x42: {  	_ =	shalt  }
0x43: {  	_ =	shalt  }
0x44: {  	_ =	shalt  }
0x45: {  	_ =	shalt  }
0x46: {  	_ =	shalt  }
0x47: {  	_ =	shalt  }
0x48: {  	_ =	shalt  }
0x49: {  	_ =	shalt  }
0x4a: {  	_ =	shalt  }
0x4b: {  	_ =	shalt  }
0x4c: {  	_ =	shalt  }
0x4d: {  	_ =	shalt  }
0x4e: {  	_ =	shalt  }
0x4f: {  	_ =	shalt  }
0x50: {  	_ =	shalt  }
0x51: {  	_ =	shalt  }
0x52: {  	_ =	shalt  }
0x53: {  	_ =	shalt  }
0x54: {  	_ =	shalt  }
0x55: {  	_ =	shalt  }
0x56: {  	_ =	shalt  }
0x57: {  	_ =	shalt  }
0x58: {  	_ =	shalt  }
0x59: {  	_ =	shalt  }
0x5a: {  	_ =	shalt  }
0x5b: {  	_ =	shalt  }
0x5c: {  	_ =	shalt  }
0x5d: {  	_ =	shalt  }
0x5e: {  	_ =	shalt  }
0x5f: {  	_ =	shalt  }
0x60: {  	_ =	shalt  }
0x61: {  	_ =	shalt  }
0x62: {  	_ =	shalt  }
0x63: {  	_ =	shalt  }
0x64: {  	_ =	shalt  }
0x65: {  	_ =	shalt  }
0x66: {  	_ =	shalt  }
0x67: {  	_ =	shalt  }
0x68: {  	_ =	shalt  }
0x69: {  	_ =	shalt  }
0x6a: {  	_ =	shalt  }
0x6b: {  	_ =	shalt  }
0x6c: {  	_ =	shalt  }
0x6d: {  	_ =	shalt  }
0x6e: {  	_ =	shalt  }
0x6f: {  	_ =	shalt  }
0x70: {  	_ =	shalt  }
0x71: {  	_ =	shalt  }
0x72: {  	_ =	shalt  }
0x73: {  	_ =	shalt  }
0x74: {  	_ =	shalt  }
0x75: {  	_ =	shalt  }
0x76: {  	_ =	shalt  }
0x77: {  	_ =	shalt  }
0x78: {  	_ =	shalt  }
0x79: {  	_ =	shalt  }
0x7a: {  	_ =	shalt  }
0x7b: {  	_ =	shalt  }
0x7c: {  	_ =	shalt  }
0x7d: {  	_ =	shalt  }
0x7e: {  	_ =	shalt  }
0x7f: {  	_ =	shalt  }
0x80: {  	_ =	shalt  }
0x81: {  	_ =	shalt  }
0x82: {  	_ =	shalt  }
0x83: {  	_ =	shalt  }
0x84: {  	_ =	shalt  }
0x85: {  	_ =	shalt  }
0x86: {  	_ =	shalt  }
0x87: {  	_ =	shalt  }
.Lfunc_end0:
.L_simem_size_0:
called_computation.1_lowered:
.L_overlay_start_0:
0x88: {  	s2 =	sld [smem:$0x3FD9]  }
0x89: {  	s3 =	sld [smem:$0x3FFE];
	_ =	sdelay $0x1  }
0x8a: {  	s1 =	srdreg.scid  }
0x8b: {  	s0 =	sand.u32 $0x1, s1  }
0x8c: {  	s16 =	sshll.u32 s0, $0xA;
	s2 =	sadd.s32 s3, s2  }
0x8d: {  	s2 =	sadd.s32 s2, s16  }
0x8e: {  	[smem:$0x3FB8] =	sst s2  }
0x8f: {  	_ = 	snop  }
0x90: {  	(tm) =	ssettm $0x1  }
0x91: {  	s17 =	sld [smem:$0x3FFB];
	_ =	sdelay $0x3  }
0x92: {  	_ =	strace s17  }
0x93: {  	s2 =	sld [smem:$0x3FFC];
	_ =	sdelay $0x3  }
0x94: {  	_ =	strace s2  }
0x95: {  	s2 =	sld [smem:$0x3FFD];
	_ =	sdelay $0x3  }
0x96: {  	_ =	strace s2  }
0x97: {  	_ =	strace $0x8FFFFFFF  }
0x98: {  	s18 =	sld [smem:$0x3FDB];
	_ =	sdelay $0x1  }
0x99: {  	s19 =	simm.s32 $_scs_section_size  }
0x9a: {  	s4 =	simm.s32 $_size__tile_overlayer_lowered;
	s5 =	simm.s32 $_tile_overlayer_lowered  }
0x9b: {  	s22 =	simm.s32 $0x1BFF;
	s21 =	sshll.u32 s5, $0x1;
	s2 =	sadd.s32 s19, s18  }
0x9c: {  	s6 =	simm.s32 $0x0;
	s20 =	sshll.u32 s4, $0x1;
	s4 =	sadd.s32 s21, s2  }
0x9d: {  	[timem:s6], [sflag:s22] =	dma.local [hbm:s4], s20  }
0x9e: {  	_ =	swait.ge [sflag:s22], s20  }
0x9f: {  	s3 =	ssub.s32 $0x0, s20;
	[sflag:s22] =	ssyncset.done $0x0  }
0xa0: {  	[sflag:s22] =	ssyncadd.s32 s3;
	_ =	sdelay $0x1  }
0xa1: {  	s23 =	simm.s32 $0x1B8B  }
0xa2: {  	_ =	swait.ge [sflag:s23], $0x1  }
0xa3: {  	[sflag:s23] =	ssyncset.done $0x0  }
0xa4: {  	s25 =	simm.s32 $0x1B8E;
	s24 =	sld [smem:$0x3FFE];
	[sflag:s23] =	ssyncadd.s32 $0xFFFFFFFF  }
0xa5: {  	s26 =	simm.s32 $execute0_lowered;
	[smem:$0x3FD2] =	sst s25  }
0xa6: {  	s4 =	sshll.u32 s26, $0x1;
	_ =	strace $0x80000049;
	[dreg:$0x1] =	wrdreg $0xFFFFFFFF  }
0xa7: {  	s28 =	simm.s32 $_size_execute0_lowered;
	s2 =	sadd.s32 s2, s4;
	[dreg:$0x0] =	wrdreg $0x0  }
0xa8: {  	s4 =	sshll.u32 s28, $0x1;
	[dreg:$0x2] =	wrdreg s2  }
0xa9: {  	[dreg:$0x3] =	wrdreg s4  }
0xaa: {  	[dreg:$0x4] =	wrdreg $0xC0  }
0xab: {  	_ =	task [dreg:s6], $0x5FFFF  }
0xac: {  	[dreg:$0x1] =	wrdreg $0xFFFFFFFF  }
0xad: {  	[dreg:$0x0] =	wrdreg $0x60  }
0xae: {  	[dreg:$0x2] =	wrdreg s24  }
0xaf: {  	[dreg:$0x3] =	wrdreg $0x9  }
0xb0: {  	_ =	task.clear_ibuf [dreg:s6], $0x4FFFF;
	_ =	strace $0x90000049  }
0xb1: {  	s29 =	simm.s32 $0x9;
	_ =	strace $0x8000004B  }
0xb2: {  	_ =	swait.ge [sflag:s29], $0x1  }
0xb3: {  	[sflag:s29] =	ssyncadd.s32 $0xFFFFFFFF  }
0xb4: {  	_ =	strace $0x9000004B  }
0xb5: {  	_ =	sfence  }
0xb6: {  	s30 =	sld [smem:$0x0];
	_ =	sdelay $0x2  }
0xb7: {  	s31 =	sshll.u32 s1, $0xD;
	s1 =	sshrl.u32 s1, $0x2  }
0xb8: {  	s3 =	sand.u32 $0x4000, s31;
	s1 =	sadd.s32 s1, s30  }
0xb9: {  	s0 =	sor.u32 s3, s0;
	s1 =	sshll.u32 s1, $0x11  }
0xba: {  	s0 =	sor.u32 s1, s0  }
0xbb: {  	s0 =	sadd.s32 $0x8F2B, s0  }
0xbc: {  	[sflag:s0] =	ssyncadd.remote.s32 $0x1  }
0xbd: {  	_ =	sfence.sel $0xFFFF  }
0xbe: {  	[dreg:$0x0] =	wrdreg $0xFFFFFFFF;
	(pc) =	sbr.abs _section_cstart, $3  }
0xbf: {  	[dreg:$0x1] =	wrdreg $0xFFFFFFFF  }
0xc0: {  	_ =	task.clear_ibuf [dreg:s6], $0x2FFFF;
	_ =	strace $0x9FFFFFFF  }
0xc1: {  	(tm) =	ssettm $0x7FFFFFFF  }
tec
execute0_lowered:
.L_overlay_start_1:
0x0: {  	(tag) =	ssettag $0x1  }
0x1: {  	s1 =	srdreg.scid;
	s0 =	stileid.u32  }
0x2: {  	s4 =	sand.u32 $0x1, s1;
	s2 =	sshll.u32 s0, $0x1  }
0x3: {  	s24 =	rddreg [dreg:$0x0];
	s3 =	sor.u32 s4, s2;
	s2 =	simm.s32 $0x0  }
0x4: {  	s25 =	simm.s32 $0x880;
	[smem:$0x7FF] =	sst s2  }
0x5: {  	s26 =	simm.s32 $0x1080;
	_ =	strace $0x8000004A;
	[dreg:$0x4] =	wrdreg s25  }
0x6: {  	p0 =	slt.u32 s0, $0x8;
	s0 =	simm.s32 $0x1880;
	[dreg:$0x5] =	wrdreg s26  }
0x7: {  	s7 =	simm.s32 $0x3080;
	[dreg:$0x6] =	wrdreg s0  }
0x8: {  	s8 =	simm.s32 $0x3880;
	[dreg:$0x9] =	wrdreg s7  }
0x9: {  	s9 =	simm.s32 $0x4080;
	[dreg:$0xa] =	wrdreg s8  }
0xa: {  	s10 =	simm.s32 $0x4880;
	[dreg:$0xb] =	wrdreg s9  }
0xb: {  	s11 =	simm.s32 $0x5080;
	s12 =	simm.s32 $0x5880;
	[dreg:$0xc] =	wrdreg s10  }
0xc: {  	s13 =	simm.s32 $0x6080;
	s14 =	simm.s32 $0x6880;
	[dreg:$0xd] =	wrdreg s11  }
0xd: {  	s15 =	simm.s32 $0x7080;
	s16 =	simm.s32 $0x7880;
	[dreg:$0xe] =	wrdreg s12  }
0xe: {  	s17 =	simm.s32 $0x8080;
	s18 =	simm.s32 $0x8880;
	[dreg:$0xf] =	wrdreg s13  }
0xf: {  	s19 =	simm.s32 $0x9080;
	s21 =	simm.s32 $0x9880;
	[dreg:$0x10] =	wrdreg s14  }
0x10: {  	s22 =	simm.s32 $0xA080;
	s23 =	simm.s32 $0xB080;
	[dreg:$0x11] =	wrdreg s15  }
0x11: {  	s28 =	simm.s32 $0x16080;
	s29 =	simm.s32 $0x16880;
	[dreg:$0x12] =	wrdreg s16  }
0x12: {  	s30 =	simm.s32 $0x17080;
	s31 =	simm.s32 $0x17880;
	[dreg:$0x13] =	wrdreg s17  }
0x13: {  	s1 =	simm.s32 $0x1;
	s4 =	ssub.s32 $0x2, s4;
	[dreg:$0x14] =	wrdreg s18  }
0x14: {  	s5 =	sshll.u32 s3, $0x4;
	s3 =	smul.u32 $0x3000, s3;
	[dreg:$0x15] =	wrdreg s19  }
0x15: {  	s20 =	sshrl.u32 s4, $0x1;
	s6 =	sand.u32 $0xF0, s5;
	[dreg:$0x16] =	wrdreg s21  }
0x16: {  	s5 =	sadd.s32 s5, s24;
	[dreg:$0x17] =	wrdreg s22;
	s7 =	simm.s32 $0xA880  }
0x17: {  	[dreg:$0x19] =	wrdreg s23;
	s25 =	simm.s32 $0xC080;
	s8 =	simm.s32 $0x80  }
0x18: {  	s26 =	simm.s32 $0xC880;
	s10 =	simm.s32 $0xD880;
	s11 =	simm.s32 $0xE080  }
0x19: {  	s12 =	simm.s32 $0xE880;
	s13 =	simm.s32 $0xF080;
	s14 =	simm.s32 $0xF880  }
0x1a: {  	s15 =	simm.s32 $0x10080;
	s16 =	simm.s32 $0x10880;
	s17 =	simm.s32 $0x11080  }
0x1b: {  	s18 =	simm.s32 $0x11880;
	s19 =	simm.s32 $0x12080;
	s21 =	simm.s32 $0x13080  }
0x1c: {  	s22 =	simm.s32 $0x13880;
	s23 =	simm.s32 $0x14080;
	[dreg:$0x18] =	wrdreg s7  }
0x1d: {  	s6 =	smul.u32 $0x300, s6;
	s3 =	sadd.s32 s3, s24;
	[dreg:$0x1b] =	wrdreg s25  }
0x1e: {  	s5 =	sadd.s32 $0x3200, s5;
	s7 =	simm.s32 $0x2;
	[dreg:$0x1c] =	wrdreg s26  }
0x1f: {  	s25 =	simm.s32 $0x15080;
	s3 =	sadd.s32 $0x72400, s3;
	s6 =	sadd.s32 s6, s24  }
0x20: {  	[dreg:$0x2] =	wrdreg s5;
	s5 =	simm.s32 $0x2080;
	s6 =	sadd.s32 $0xA2400, s6  }
0x21: {  	s26 =	simm.s32 $0x15880;
	[dreg:$0x7] =	wrdreg s5;
	s6 =	smov.u32 @p0 s3  }
0x22: {  	s5 =	sadd.s32 $0x3600, s24;
	[dreg:$0x3] =	wrdreg s6;
	s6 =	simm.s32 $0x2880  }
0x23: {  	v2 =	vlaneseq.u32;
	s3 =	sadd.s32 $0x3400, s24;
	[dreg:$0x8] =	wrdreg s6;
	s6 =	ssub.s32 s4, s20  }
0x24: {  	vm0 =	vmmov $0xffff;
	v1 =	vshrl.u32 v2, $0x3;
	s4 =	sadd.s32 $0x3500, s24;
	s24 =	simm.s32 $0xB880;
	s20 =	simm.s32 $0x12880  }
0x25: {  	v0 =	vand.u32 $0x7, v2;
	v2 =	vor.u32 $0x8, v2;
	v1 =	vmul.u32 $0x8, v1;
	s6 =	smax.u32 s6, $0x1;
	[dreg:$0x1a] =	wrdreg s24;
	s24 =	simm.s32 $0x14880  }
.LBB2_1:
0x26: {  	s0 =	rddreg [dreg:$0x2]  }
0x27: {  	[tilespmem:s2], [sflag:$0x2] =	stream.linear.gather [hbm4b:s0+s2], $0x80, $0x38;
	[tilespmem:$0x18080] =	vst v63  }
0x28: {  	_ =	swait.ge [sflag:s7], $0x80  }
0x29: {  	[sflag:s7] =	ssyncset.done $0x0  }
0x2a: {  	[sflag:s7] =	ssyncadd.s32 $0xFFFFFF80  }
0x2b: {  	v3 =	vld [tilespmem:$0x0];
	_ =	sdelay $0x4  }
0x2c: {  	v4 =	vshrl.u32 v3, $0x3  }
0x2d: {  	v4 =	vmul.u32 $0x30, v4  }
0x2e: {  	v3 =	vand.u32 $0x7, v3  }
0x2f: {  	v3 =	vor.u32 v3, v4  }
0x30: {  	v4 =	vperm.xlane v3, v0;
	_ =	sdelay $0x1  }
0x31: {  	v4 =	vadd.s32 v1, v4;
	_ =	sdelay $0x3  }
0x32: {  	v3 =	vperm.xlane v3, v2  }
0x33: {  	[tilespmem:s8], [sflag:$0x1] =	stream.indirect_vreg.gather [hbm4b:s3+s2], $0x80, v4, vm0, $0xb8;
	[tilespmem:$0x18080] =	vst v63  }
0x34: {  	s0 =	rddreg [dreg:$0x4];
	v3 =	vadd.s32 v1, v3  }
0x35: {  	[tilespmem:s0], [sflag:$0x1] =	stream.indirect_vreg.gather [hbm4b:s4+s2], $0x80, v4, vm0, $0xb8;
	[tilespmem:$0x18080] =	vst v63  }
0x36: {  	s9 =	rddreg [dreg:$0x5]  }
0x37: {  	[tilespmem:s9], [sflag:$0x1] =	stream.indirect_vreg.gather [hbm4b:s5+s2], $0x80, v4, vm0, $0xb8;
	[tilespmem:$0x18080] =	vst v63  }
0x38: {  	s0 =	rddreg [dreg:$0x6]  }
0x39: {  	[tilespmem:s0], [sflag:$0x1] =	stream.indirect_vreg.gather [hbm4b:s3+s2], $0x80, v3, vm0, $0xb8;
	[tilespmem:$0x18080] =	vst v63  }
0x3a: {  	s9 =	rddreg [dreg:$0x7]  }
0x3b: {  	[tilespmem:s9], [sflag:$0x1] =	stream.indirect_vreg.gather [hbm4b:s4+s2], $0x80, v3, vm0, $0xb8;
	[tilespmem:$0x18080] =	vst v63  }
0x3c: {  	s0 =	rddreg [dreg:$0x8]  }
0x3d: {  	[tilespmem:s0], [sflag:$0x1] =	stream.indirect_vreg.gather [hbm4b:s5+s2], $0x80, v3, vm0, $0xb8;
	[tilespmem:$0x18080] =	vst v63  }
0x3e: {  	v3 =	vld [tilespmem:$0x10];
	_ =	sdelay $0x4  }
0x3f: {  	v57 =	vshrl.u32 v3, $0x3  }
0x40: {  	v4 =	vmul.u32 $0x30, v57  }
0x41: {  	v3 =	vand.u32 $0x7, v3  }
0x42: {  	v3 =	vor.u32 v3, v4  }
0x43: {  	v4 =	vperm.xlane v3, v0;
	_ =	sdelay $0x1  }
0x44: {  	v4 =	vadd.s32 v1, v4;
	_ =	sdelay $0x3  }
0x45: {  	s0 =	rddreg [dreg:$0x9];
	v3 =	vperm.xlane v3, v2  }
0x46: {  	[tilespmem:s0], [sflag:$0x1] =	stream.indirect_vreg.gather [hbm4b:s3+s2], $0x80, v4, vm0, $0xb8;
	[tilespmem:$0x18080] =	vst v63  }
0x47: {  	s9 =	rddreg [dreg:$0xa];
	v3 =	vadd.s32 v1, v3  }
0x48: {  	[tilespmem:s9], [sflag:$0x1] =	stream.indirect_vreg.gather [hbm4b:s4+s2], $0x80, v4, vm0, $0xb8;
	[tilespmem:$0x18080] =	vst v63  }
0x49: {  	s0 =	rddreg [dreg:$0xb]  }
0x4a: {  	[tilespmem:s0], [sflag:$0x1] =	stream.indirect_vreg.gather [hbm4b:s5+s2], $0x80, v4, vm0, $0xb8;
	[tilespmem:$0x18080] =	vst v63  }
0x4b: {  	s9 =	rddreg [dreg:$0xc]  }
0x4c: {  	[tilespmem:s9], [sflag:$0x1] =	stream.indirect_vreg.gather [hbm4b:s3+s2], $0x80, v3, vm0, $0xb8;
	[tilespmem:$0x18080] =	vst v63  }
0x4d: {  	s0 =	rddreg [dreg:$0xd]  }
0x4e: {  	[tilespmem:s0], [sflag:$0x1] =	stream.indirect_vreg.gather [hbm4b:s4+s2], $0x80, v3, vm0, $0xb8;
	[tilespmem:$0x18080] =	vst v63  }
0x4f: {  	s9 =	rddreg [dreg:$0xe]  }
0x50: {  	[tilespmem:s9], [sflag:$0x1] =	stream.indirect_vreg.gather [hbm4b:s5+s2], $0x80, v3, vm0, $0xb8;
	[tilespmem:$0x18080] =	vst v63  }
0x51: {  	v3 =	vld [tilespmem:$0x20];
	_ =	sdelay $0x4  }
0x52: {  	v58 =	vshrl.u32 v3, $0x3  }
0x53: {  	v4 =	vmul.u32 $0x30, v58  }
0x54: {  	v3 =	vand.u32 $0x7, v3  }
0x55: {  	v3 =	vor.u32 v3, v4  }
0x56: {  	v4 =	vperm.xlane v3, v0;
	_ =	sdelay $0x1  }
0x57: {  	v4 =	vadd.s32 v1, v4;
	_ =	sdelay $0x3  }
0x58: {  	s0 =	rddreg [dreg:$0xf];
	v3 =	vperm.xlane v3, v2  }
0x59: {  	[tilespmem:s0], [sflag:$0x1] =	stream.indirect_vreg.gather [hbm4b:s3+s2], $0x80, v4, vm0, $0xb8;
	[tilespmem:$0x18080] =	vst v63  }
0x5a: {  	s9 =	rddreg [dreg:$0x10];
	v3 =	vadd.s32 v1, v3  }
0x5b: {  	[tilespmem:s9], [sflag:$0x1] =	stream.indirect_vreg.gather [hbm4b:s4+s2], $0x80, v4, vm0, $0xb8;
	[tilespmem:$0x18080] =	vst v63  }
0x5c: {  	s0 =	rddreg [dreg:$0x11]  }
0x5d: {  	[tilespmem:s0], [sflag:$0x1] =	stream.indirect_vreg.gather [hbm4b:s5+s2], $0x80, v4, vm0, $0xb8;
	[tilespmem:$0x18080] =	vst v63  }
0x5e: {  	s9 =	rddreg [dreg:$0x12]  }
0x5f: {  	[tilespmem:s9], [sflag:$0x1] =	stream.indirect_vreg.gather [hbm4b:s3+s2], $0x80, v3, vm0, $0xb8;
	[tilespmem:$0x18080] =	vst v63  }
0x60: {  	s0 =	rddreg [dreg:$0x13]  }
0x61: {  	[tilespmem:s0], [sflag:$0x1] =	stream.indirect_vreg.gather [hbm4b:s4+s2], $0x80, v3, vm0, $0xb8;
	[tilespmem:$0x18080] =	vst v63  }
0x62: {  	s9 =	rddreg [dreg:$0x14]  }
0x63: {  	[tilespmem:s9], [sflag:$0x1] =	stream.indirect_vreg.gather [hbm4b:s5+s2], $0x80, v3, vm0, $0xb8;
	[tilespmem:$0x18080] =	vst v63  }
0x64: {  	v3 =	vld [tilespmem:$0x30];
	_ =	sdelay $0x4  }
0x65: {  	v59 =	vshrl.u32 v3, $0x3  }
0x66: {  	v4 =	vmul.u32 $0x30, v59  }
0x67: {  	v3 =	vand.u32 $0x7, v3  }
0x68: {  	v3 =	vor.u32 v3, v4  }
0x69: {  	v4 =	vperm.xlane v3, v0;
	_ =	sdelay $0x1  }
0x6a: {  	v4 =	vadd.s32 v1, v4;
	_ =	sdelay $0x3  }
0x6b: {  	s0 =	rddreg [dreg:$0x15];
	v3 =	vperm.xlane v3, v2  }
0x6c: {  	[tilespmem:s0], [sflag:$0x1] =	stream.indirect_vreg.gather [hbm4b:s3+s2], $0x80, v4, vm0, $0xb8;
	[tilespmem:$0x18080] =	vst v63  }
0x6d: {  	s9 =	rddreg [dreg:$0x16];
	v3 =	vadd.s32 v1, v3  }
0x6e: {  	[tilespmem:s9], [sflag:$0x1] =	stream.indirect_vreg.gather [hbm4b:s4+s2], $0x80, v4, vm0, $0xb8;
	[tilespmem:$0x18080] =	vst v63  }
0x6f: {  	s0 =	rddreg [dreg:$0x17]  }
0x70: {  	[tilespmem:s0], [sflag:$0x1] =	stream.indirect_vreg.gather [hbm4b:s5+s2], $0x80, v4, vm0, $0xb8;
	[tilespmem:$0x18080] =	vst v63  }
0x71: {  	s9 =	rddreg [dreg:$0x18]  }
0x72: {  	[tilespmem:s9], [sflag:$0x1] =	stream.indirect_vreg.gather [hbm4b:s3+s2], $0x80, v3, vm0, $0xb8;
	[tilespmem:$0x18080] =	vst v63  }
0x73: {  	s0 =	rddreg [dreg:$0x19]  }
0x74: {  	[tilespmem:s0], [sflag:$0x1] =	stream.indirect_vreg.gather [hbm4b:s4+s2], $0x80, v3, vm0, $0xb8;
	[tilespmem:$0x18080] =	vst v63  }
0x75: {  	s9 =	rddreg [dreg:$0x1a]  }
0x76: {  	[tilespmem:s9], [sflag:$0x1] =	stream.indirect_vreg.gather [hbm4b:s5+s2], $0x80, v3, vm0, $0xb8;
	[tilespmem:$0x18080] =	vst v63  }
0x77: {  	v3 =	vld [tilespmem:$0x40];
	_ =	sdelay $0x4  }
0x78: {  	v60 =	vshrl.u32 v3, $0x3  }
0x79: {  	v4 =	vmul.u32 $0x30, v60  }
0x7a: {  	v3 =	vand.u32 $0x7, v3  }
0x7b: {  	v3 =	vor.u32 v3, v4  }
0x7c: {  	v4 =	vperm.xlane v3, v0;
	_ =	sdelay $0x1  }
0x7d: {  	v4 =	vadd.s32 v1, v4;
	_ =	sdelay $0x3  }
0x7e: {  	s0 =	rddreg [dreg:$0x1b];
	v3 =	vperm.xlane v3, v2  }
0x7f: {  	[tilespmem:s0], [sflag:$0x1] =	stream.indirect_vreg.gather [hbm4b:s3+s2], $0x80, v4, vm0, $0xb8;
	[tilespmem:$0x18080] =	vst v63  }
0x80: {  	s9 =	rddreg [dreg:$0x1c];
	v3 =	vadd.s32 v1, v3  }
0x81: {  	[tilespmem:s9], [sflag:$0x1] =	stream.indirect_vreg.gather [hbm4b:s4+s2], $0x80, v4, vm0, $0xb8;
	[tilespmem:$0x18080] =	vst v63  }
0x82: {  	s9 =	simm.s32 $0xD080  }
0x83: {  	[tilespmem:s9], [sflag:$0x1] =	stream.indirect_vreg.gather [hbm4b:s5+s2], $0x80, v4, vm0, $0xb8;
	[tilespmem:$0x18080] =	vst v63  }
0x84: {  	_ = 	snop  }
0x85: {  	[tilespmem:s10], [sflag:$0x1] =	stream.indirect_vreg.gather [hbm4b:s3+s2], $0x80, v3, vm0, $0xb8;
	[tilespmem:$0x18080] =	vst v63  }
0x86: {  	_ = 	snop  }
0x87: {  	[tilespmem:s11], [sflag:$0x1] =	stream.indirect_vreg.gather [hbm4b:s4+s2], $0x80, v3, vm0, $0xb8;
	[tilespmem:$0x18080] =	vst v63  }
0x88: {  	_ = 	snop  }
0x89: {  	[tilespmem:s12], [sflag:$0x1] =	stream.indirect_vreg.gather [hbm4b:s5+s2], $0x80, v3, vm0, $0xb8;
	[tilespmem:$0x18080] =	vst v63  }
0x8a: {  	v3 =	vld [tilespmem:$0x50];
	_ =	sdelay $0x4  }
0x8b: {  	v61 =	vshrl.u32 v3, $0x3  }
0x8c: {  	v4 =	vmul.u32 $0x30, v61  }
0x8d: {  	v3 =	vand.u32 $0x7, v3  }
0x8e: {  	v3 =	vor.u32 v3, v4  }
0x8f: {  	v4 =	vperm.xlane v3, v0;
	_ =	sdelay $0x1  }
0x90: {  	v4 =	vadd.s32 v1, v4;
	_ =	sdelay $0x3  }
0x91: {  	v3 =	vperm.xlane v3, v2  }
0x92: {  	[tilespmem:s13], [sflag:$0x1] =	stream.indirect_vreg.gather [hbm4b:s3+s2], $0x80, v4, vm0, $0xb8;
	[tilespmem:$0x18080] =	vst v63  }
0x93: {  	v3 =	vadd.s32 v1, v3  }
0x94: {  	[tilespmem:s14], [sflag:$0x1] =	stream.indirect_vreg.gather [hbm4b:s4+s2], $0x80, v4, vm0, $0xb8;
	[tilespmem:$0x18080] =	vst v63  }
0x95: {  	_ = 	snop  }
0x96: {  	[tilespmem:s15], [sflag:$0x1] =	stream.indirect_vreg.gather [hbm4b:s5+s2], $0x80, v4, vm0, $0xb8;
	[tilespmem:$0x18080] =	vst v63  }
0x97: {  	_ = 	snop  }
0x98: {  	[tilespmem:s16], [sflag:$0x1] =	stream.indirect_vreg.gather [hbm4b:s3+s2], $0x80, v3, vm0, $0xb8;
	[tilespmem:$0x18080] =	vst v63  }
0x99: {  	_ = 	snop  }
0x9a: {  	[tilespmem:s17], [sflag:$0x1] =	stream.indirect_vreg.gather [hbm4b:s4+s2], $0x80, v3, vm0, $0xb8;
	[tilespmem:$0x18080] =	vst v63  }
0x9b: {  	_ = 	snop  }
0x9c: {  	[tilespmem:s18], [sflag:$0x1] =	stream.indirect_vreg.gather [hbm4b:s5+s2], $0x80, v3, vm0, $0xb8;
	[tilespmem:$0x18080] =	vst v63  }
0x9d: {  	v3 =	vld [tilespmem:$0x60];
	_ =	sdelay $0x4  }
0x9e: {  	v62 =	vshrl.u32 v3, $0x3  }
0x9f: {  	v4 =	vmul.u32 $0x30, v62  }
0xa0: {  	v3 =	vand.u32 $0x7, v3  }
0xa1: {  	v3 =	vor.u32 v3, v4  }
0xa2: {  	v4 =	vperm.xlane v3, v0;
	_ =	sdelay $0x1  }
0xa3: {  	v4 =	vadd.s32 v1, v4;
	_ =	sdelay $0x3  }
0xa4: {  	v3 =	vperm.xlane v3, v2  }
0xa5: {  	[tilespmem:s19], [sflag:$0x1] =	stream.indirect_vreg.gather [hbm4b:s3+s2], $0x80, v4, vm0, $0xb8;
	[tilespmem:$0x18080] =	vst v63  }
0xa6: {  	v3 =	vadd.s32 v1, v3  }
0xa7: {  	[tilespmem:s20], [sflag:$0x1] =	stream.indirect_vreg.gather [hbm4b:s4+s2], $0x80, v4, vm0, $0xb8;
	[tilespmem:$0x18080] =	vst v63  }
0xa8: {  	_ = 	snop  }
0xa9: {  	[tilespmem:s21], [sflag:$0x1] =	stream.indirect_vreg.gather [hbm4b:s5+s2], $0x80, v4, vm0, $0xb8;
	[tilespmem:$0x18080] =	vst v63  }
0xaa: {  	_ = 	snop  }
0xab: {  	[tilespmem:s22], [sflag:$0x1] =	stream.indirect_vreg.gather [hbm4b:s3+s2], $0x80, v3, vm0, $0xb8;
	[tilespmem:$0x18080] =	vst v63  }
0xac: {  	_ = 	snop  }
0xad: {  	[tilespmem:s23], [sflag:$0x1] =	stream.indirect_vreg.gather [hbm4b:s4+s2], $0x80, v3, vm0, $0xb8;
	[tilespmem:$0x18080] =	vst v63  }
0xae: {  	_ = 	snop  }
0xaf: {  	[tilespmem:s24], [sflag:$0x1] =	stream.indirect_vreg.gather [hbm4b:s5+s2], $0x80, v3, vm0, $0xb8;
	[tilespmem:$0x18080] =	vst v63  }
0xb0: {  	v3 =	vld [tilespmem:$0x70];
	_ =	sdelay $0x4  }
0xb1: {  	v63 =	vshrl.u32 v3, $0x3  }
0xb2: {  	v4 =	vmul.u32 $0x30, v63  }
0xb3: {  	v3 =	vand.u32 $0x7, v3  }
0xb4: {  	v3 =	vor.u32 v3, v4  }
0xb5: {  	v4 =	vperm.xlane v3, v0;
	_ =	sdelay $0x1  }
0xb6: {  	v4 =	vadd.s32 v1, v4;
	_ =	sdelay $0x3  }
0xb7: {  	v3 =	vperm.xlane v3, v2  }
0xb8: {  	[tilespmem:s25], [sflag:$0x1] =	stream.indirect_vreg.gather [hbm4b:s3+s2], $0x80, v4, vm0, $0xb8;
	[tilespmem:$0x18080] =	vst v63  }
0xb9: {  	v3 =	vadd.s32 v1, v3  }
0xba: {  	[tilespmem:s26], [sflag:$0x1] =	stream.indirect_vreg.gather [hbm4b:s4+s2], $0x80, v4, vm0, $0xb8;
	[tilespmem:$0x18080] =	vst v63  }
0xbb: {  	_ = 	snop  }
0xbc: {  	[tilespmem:s28], [sflag:$0x1] =	stream.indirect_vreg.gather [hbm4b:s5+s2], $0x80, v4, vm0, $0xb8;
	[tilespmem:$0x18080] =	vst v63  }
0xbd: {  	_ = 	snop  }
0xbe: {  	[tilespmem:s29], [sflag:$0x1] =	stream.indirect_vreg.gather [hbm4b:s3+s2], $0x80, v3, vm0, $0xb8;
	[tilespmem:$0x18080] =	vst v63  }
0xbf: {  	_ = 	snop  }
0xc0: {  	[tilespmem:s30], [sflag:$0x1] =	stream.indirect_vreg.gather [hbm4b:s4+s2], $0x80, v3, vm0, $0xb8;
	[tilespmem:$0x18080] =	vst v63  }
0xc1: {  	_ = 	snop  }
0xc2: {  	[tilespmem:s31], [sflag:$0x1] =	stream.indirect_vreg.gather [hbm4b:s5+s2], $0x80, v3, vm0, $0xb8;
	[tilespmem:$0x18080] =	vst v63  }
0xc3: {  	_ =	swait.ge [sflag:s1], $0x18000  }
0xc4: {  	p0 =	sne.s32 s6, $0x1;
	[sflag:s1] =	ssyncset.done $0x0  }
.Ltmp0:
0xc5: {  	s9 =	rddreg [dreg:$0x3];
	[sflag:s1] =	ssyncadd.s32 $0xFFFE8000;
	(pc) =	sbr.rel @p0 .LBB2_1-.Ltmp0, $4  }
0xc6: {  	[hbm4b:s9+s2] =	stream.linear.scatter [tilespmem:s8], [sflag:$0x2], $0x18000, $0x38;
	[tilespmem:$0x18080] =	vst v63  }
0xc7: {  	_ =	swait.ge [sflag:s7], $0x18000  }
0xc8: {  	[sflag:s7] =	ssyncset.done $0x0  }
0xc9: {  	s6 =	sadd.s32 $0xFFFFFFFF, s6;
	[sflag:s7] =	ssyncadd.s32 $0xFFFE8000  }
0xca: {  	_ =	sfence.sel $0x180000  }
0xcb: {  	[bflag:$0x0] =	sbarrier.arrive $0xFFFF  }
0xcc: {  	_ =	strace $0x9000004A  }
0xcd: {  	s0 =	stileid.u32;
	[bflag:$0x2] =	sbarrier.arrive $0xFFFF  }
0xce: {  	p0 =	sne.s32 s0, $0x0;
	s0 =	rddreg [dreg:$0x1]  }
0xcf: {  	s0 =	sadd.s32 @!p0 $0x100000, s0  }
0xd0: {  	[sflag:s0] =	ssyncadd.tile.s32 @!p0 $0x1;
	_ =	shalt  }
.Lfunc_end2:
_tile_overlayer_lowered:
.L_overlay_start_2:
0xd1: {  	(tag) =	ssettag $0x2  }
0xd2: {  	s0 =	rddreg [dreg:$0x0];
	s2 =	stileid.u32  }
0xd3: {  	s1 =	rddreg [dreg:$0x1];
	p0 =	sne.s32 s2, $0x0  }
0xd4: {  	s3 =	rddreg [dreg:$0x2];
	[bflag:$0x3] =	sbarrier.arrive $0xFFFF;
	s2 =	simm.s32 @!p0 $0x1C02  }
0xd5: {  	[timem:s3], [sflag:s2] =	dma.local @!p0 [hbm:s0], s1  }
0xd6: {  	s0 =	simm.s32 @!p0 $0x2  }
0xd7: {  	_ =	swait.ge @!p0 [sflag:s0], s1  }
0xd8: {  	s1 =	ssub.s32 @!p0 $0x0, s1;
	[sflag:s0] =	ssyncset.done @!p0 $0x0  }
0xd9: {  	[sflag:s0] =	ssyncadd.s32 @!p0 s1  }
0xda: {  	[bflag:$0x3] =	sbarrier.arrive $0xFFFF  }
0xdb: {  	_ =	shalt  }

</sc_bundles>
